<compile_context>
chip_gen: v7x
topology: tpu7x:2x2x1
jax: 0.10.2.dev20260603
libtpu: 0.0.44.dev20260713+nightly
codegen_flags: <defaults>
</compile_context>

<pallas_src>
import functools

import jax
import jax.numpy as jnp
from jax import lax
from jax.experimental import pallas as pl
from jax.experimental.pallas import tpu as pltpu
from jax.experimental.pallas import tpu_sc as plsc

N = 10000
D = 128
HID = 256
NCLS = 100
NP = 10112
E = 320000
CB = 128
ECH = 2560
EPAD = ECH * CB
NSC = 2
NTILE = 16
ZR = NP // NTILE
F32 = jnp.float32
HI = lax.Precision.HIGHEST

R = 256
GR = 40


def _mesh():
    return plsc.VectorSubcoreMesh(core_axis_name="c", subcore_axis_name="s")



def _make_scatter(split_edges_across_cores):
    if split_edges_across_cores:
        cpt = ECH // (NSC * NTILE)
    else:
        cpt = ECH // NTILE

    SB = 32 if cpt % 32 == 0 else 40

    @functools.partial(
        pl.kernel,
        out_type=jax.ShapeDtypeStruct((NSC, NP, D), F32),
        mesh=_mesh(),
        scratch_types=[
            pltpu.VMEM_SHARED((NP, D), F32),
            pltpu.VMEM((SB, CB), jnp.int32),
            pltpu.VMEM((SB, CB), jnp.int32),
            pltpu.VMEM((CB, D), F32),
            pltpu.VMEM((CB, D), F32),
            pltpu.SemaphoreType.DMA,
            pltpu.SemaphoreType.DMA,
        ],
    )
    def k(tbl_hbm, src_hbm, dst_hbm, zeros_hbm, out_hbm,
          acc, sidx, didx, rows0, rows1, sem0, sem1):
        c = lax.axis_index("c")
        s = lax.axis_index("s")
        z = pl.ds(s * ZR, ZR)
        pltpu.sync_copy(zeros_hbm.at[z], acc.at[z])
        if split_edges_across_cores:
            base = (c * NTILE + s) * cpt
        else:
            base = s * cpt
        plsc.subcore_barrier()

        @pl.loop(0, cpt // SB)
        def _outer(b):
            if split_edges_across_cores:
                pltpu.sync_copy(src_hbm.at[pl.ds(base + b * SB, SB)], sidx)
            else:
                pltpu.sync_copy(src_hbm.at[c, pl.ds(base + b * SB, SB)], sidx)
            pltpu.sync_copy(dst_hbm.at[pl.ds(base + b * SB, SB)], didx)
            pltpu.async_copy(tbl_hbm.at[sidx.at[0]], rows0, sem0)

            @pl.loop(0, SB // 2)
            def _pair(t):
                j0 = 2 * t
                pltpu.async_copy(tbl_hbm.at[sidx.at[j0 + 1]], rows1, sem1)
                pltpu.make_async_copy(tbl_hbm.at[sidx.at[j0]], rows0, sem0).wait()
                pltpu.sync_copy(rows0, acc.at[didx.at[j0]], add=True)

                @pl.when(j0 + 2 < SB)
                def _():
                    pltpu.async_copy(tbl_hbm.at[sidx.at[j0 + 2]], rows0, sem0)

                pltpu.make_async_copy(tbl_hbm.at[sidx.at[j0 + 1]], rows1, sem1).wait()
                pltpu.sync_copy(rows1, acc.at[didx.at[j0 + 1]], add=True)

        plsc.subcore_barrier()
        pltpu.sync_copy(acc.at[z], out_hbm.at[c, z])

    return k


def _make_count():
    cpt = ECH // (NSC * NTILE)
    SB = 16

    @functools.partial(
        pl.kernel,
        out_type=jax.ShapeDtypeStruct((NSC, NP, D), F32),
        mesh=_mesh(),
        scratch_types=[
            pltpu.VMEM_SHARED((NP, D), F32),
            pltpu.VMEM((SB, CB), jnp.int32),
            pltpu.VMEM((CB, D), F32),
            pltpu.SemaphoreType.DMA,
        ],
    )
    def k(dst_hbm, zeros_hbm, ones_hbm, out_hbm, acc, didx, rows, sems):
        c = lax.axis_index("c")
        s = lax.axis_index("s")
        z = pl.ds(s * ZR, ZR)
        pltpu.sync_copy(zeros_hbm.at[z], acc.at[z])
        pltpu.sync_copy(ones_hbm, rows)
        base = (c * NTILE + s) * cpt
        plsc.subcore_barrier()

        @pl.loop(0, cpt // SB)
        def _outer(b):
            pltpu.sync_copy(dst_hbm.at[pl.ds(base + b * SB, SB)], didx)

            @pl.loop(0, SB)
            def _go(j):
                pltpu.async_copy(rows, acc.at[didx.at[j]], sems, add=True)

            @pl.loop(0, SB)
            def _drain(j):
                pltpu.make_async_copy(rows, acc.at[didx.at[0]], sems).wait()

        plsc.subcore_barrier()
        pltpu.sync_copy(acc.at[z], out_hbm.at[c, z])

    return k


_make_count = functools.cache(_make_count)


_make_scatter = functools.cache(_make_scatter)



def _dinv_of(dp):
    deg = dp[0, :, 0] + dp[1, :, 0] + 1.0
    return lax.rsqrt(deg)


def _mm1(x, xh, xs, W1, degp):
    def body(x_r, xh_r, xs_r, w_r, dp_r, o_r):
        acc = jnp.dot(x_r[...], w_r[0:D, :], preferred_element_type=F32, precision=HI)
        acc += jnp.dot(xh_r[...], w_r[D:2 * D, :], preferred_element_type=F32, precision=HI)
        acc += jnp.dot(xs_r[...], w_r[2 * D:3 * D, :], preferred_element_type=F32, precision=HI)
        dinv = _dinv_of(dp_r)
        o_r[...] = (acc * dinv[:, None]).reshape(1, R, D)

    return pl.pallas_call(
        body,
        grid=(GR, 2),
        in_specs=[
            pl.BlockSpec((R, D), lambda i, j: (i, 0)),
            pl.BlockSpec((R, D), lambda i, j: (i, 0)),
            pl.BlockSpec((R, D), lambda i, j: (i, 0)),
            pl.BlockSpec((3 * D, D), lambda i, j: (0, j)),
            pl.BlockSpec((2, R, D), lambda i, j: (0, i, 0)),
        ],
        out_specs=pl.BlockSpec((1, R, D), lambda i, j: (j, i, 0)),
        out_shape=jax.ShapeDtypeStruct((NSC, NP, D), F32),
    )(x, xh, xs, W1, degp)


def _epi1(g1, s1, degp, b1r, W2):
    def body(g_r, s_r, dp_r, b_r, w_r, o_r):
        dinv = _dinv_of(dp_r)[:, None]
        t0 = (g_r[0] + s_r[0]) * dinv + b_r[0, 0:D][None, :]
        t1 = (g_r[1] + s_r[1]) * dinv + b_r[0, D:2 * D][None, :]
        h1 = jnp.maximum(jnp.concatenate([t0, t1], axis=1), 0.0)
        h2 = jnp.dot(h1, w_r[...], preferred_element_type=F32, precision=HI)
        o_r[...] = h2 * dinv

    return pl.pallas_call(
        body,
        grid=(GR,),
        in_specs=[
            pl.BlockSpec((2, R, D), lambda i: (0, i, 0)),
            pl.BlockSpec((2, R, D), lambda i: (0, i, 0)),
            pl.BlockSpec((2, R, D), lambda i: (0, i, 0)),
            pl.BlockSpec((1, HID), lambda i: (0, 0)),
            pl.BlockSpec((HID, D), lambda i: (0, 0)),
        ],
        out_specs=pl.BlockSpec((R, D), lambda i: (i, 0)),
        out_shape=jax.ShapeDtypeStruct((NP, D), F32),
    )(g1, s1, degp, b1r, W2)


def _epi2(g2, s2, degp, b2r, clsp):
    def body(g_r, s_r, dp_r, b_r, cl_r, o_r):
        dinv = _dinv_of(dp_r)[:, None]
        h = (g_r[...] + s_r[0] + s_r[1]) * dinv + b_r[0][None, :]
        cl = cl_r[...]
        hn = jnp.sqrt(jnp.sum(h * h, axis=1, keepdims=True))
        cn = jnp.sqrt(jnp.sum(cl * cl, axis=1))
        num = lax.dot_general(h, cl, (((1,), (1,)), ((), ())),
                              preferred_element_type=F32, precision=HI)
        o_r[...] = num / jnp.maximum(hn * cn[None, :], 1e-8)

    return pl.pallas_call(
        body,
        grid=(GR,),
        in_specs=[
            pl.BlockSpec((R, D), lambda i: (i, 0)),
            pl.BlockSpec((2, R, D), lambda i: (0, i, 0)),
            pl.BlockSpec((2, R, D), lambda i: (0, i, 0)),
            pl.BlockSpec((1, D), lambda i: (0, 0)),
            pl.BlockSpec((D, D), lambda i: (0, 0)),
        ],
        out_specs=pl.BlockSpec((R, D), lambda i: (i, 0)),
        out_shape=jax.ShapeDtypeStruct((NP, D), F32),
    )(g2, s2, degp, b2r, clsp)



def kernel(x, x_h, x_s, edge_index, cls_embeddings, W1, b1, W2, b2):
    src = edge_index[0]
    dst = edge_index[1]
    pad = EPAD - E
    srcp = jnp.concatenate([src, jnp.full((pad,), N, jnp.int32)])
    dstp = jnp.concatenate([dst, N + (jnp.arange(pad, dtype=jnp.int32) % 96)])
    src2d = srcp.reshape(ECH, CB)
    dst2d = dstp.reshape(ECH, CB)
    src_l1 = jnp.stack([src2d, src2d + NP])
    zeros128 = jnp.zeros((NP, D), F32)
    b1r = b1.reshape(1, HID)
    b2r = b2.reshape(1, D)
    clsp = jnp.zeros((D, D), F32).at[0:NCLS].set(cls_embeddings)

    ones_blk = jnp.ones((CB, D), F32)
    degp = _make_count()(dst2d, zeros128, ones_blk)
    g1 = _mm1(x, x_h, x_s, W1, degp)
    s1 = _make_scatter(False)(g1.reshape(NSC * NP, D), src_l1, dst2d, zeros128)
    g2 = _epi1(g1, s1, degp, b1r, W2)
    s2 = _make_scatter(True)(g2, src2d, dst2d, zeros128)
    out = _epi2(g2, s2, degp, b2r, clsp)
    return out[0:N, 0:NCLS]

# --- scband reference (transcript-rebuilt; emitter-appended) ---
"""Pipeline reference for scband-shot-nchead-24180665876742 (READ-ONLY COPY).

The authoritative reference and input builder live on the scoring server;
editing this copy changes nothing except your own understanding.
"""

import jax, jax.numpy as jnp
import numpy as np

N = 10000
E = 320000
D = 128
IN_DIM = 3 * D
HID = 256
CLS_DIM = 128
NUM_CLS = 100


def setup_inputs(seed: int = 0) -> dict:
    key = jax.random.key(seed)
    ks = jax.random.split(key, 10)
    x = jax.random.normal(ks[0], (N, D), dtype=jnp.float32)
    x_h = jax.random.normal(ks[1], (N, D), dtype=jnp.float32)
    x_s = jax.random.normal(ks[2], (N, D), dtype=jnp.float32)
    edge_index = jax.random.randint(ks[3], (2, E), 0, N, dtype=jnp.int32)
    cls_embeddings = jax.random.normal(ks[4], (NUM_CLS, CLS_DIM), dtype=jnp.float32)
    W1 = jax.random.normal(ks[5], (IN_DIM, HID), dtype=jnp.float32) * 0.05
    b1 = jnp.zeros((HID,), dtype=jnp.float32)
    W2 = jax.random.normal(ks[6], (HID, CLS_DIM), dtype=jnp.float32) * 0.05
    b2 = jnp.zeros((CLS_DIM,), dtype=jnp.float32)
    return {"x": x, "x_h": x_h, "x_s": x_s, "edge_index": edge_index,
            "cls_embeddings": cls_embeddings, "W1": W1, "b1": b1, "W2": W2, "b2": b2}


def _gcn_conv(h_in, W, b, src, dst):
    # PyG-style GCNConv: linear, add self-loops, symmetric deg^-1/2 normalization, scatter-add
    h = h_in @ W
    loops = jnp.arange(N, dtype=src.dtype)
    s = jnp.concatenate([src, loops])
    d = jnp.concatenate([dst, loops])
    ones = jnp.ones((s.shape[0],), dtype=h.dtype)
    deg = jax.ops.segment_sum(ones, d, num_segments=N)
    dinv = jnp.where(deg > 0, 1.0 / jnp.sqrt(deg), 0.0)
    norm = dinv[s] * dinv[d]
    msg = jnp.take(h, s, axis=0) * norm[:, None]
    out = jax.ops.segment_sum(msg, d, num_segments=N)
    return out + b


def reference(x, x_h, x_s, edge_index, cls_embeddings, W1, b1, W2, b2):
    # eval mode: dropout_edge and feature dropout are identity
    feat = jnp.concatenate([x, x_h, x_s], axis=-1)
    src = edge_index[0]
    dst = edge_index[1]
    h = jax.nn.relu(_gcn_conv(feat, W1, b1, src, dst))
    h = _gcn_conv(h, W2, b2, src, dst)
    # F.cosine_similarity(h.unsqueeze(1), cls.unsqueeze(0), dim=-1)
    hn = jnp.sqrt(jnp.sum(h * h, axis=-1))
    cn = jnp.sqrt(jnp.sum(cls_embeddings * cls_embeddings, axis=-1))
    num = h @ cls_embeddings.T
    denom = jnp.maximum(hn[:, None] * cn[None, :], 1e-8)
    return num / denom

if __name__ == "__main__":
    import jax
    _d = setup_inputs()
    print(jax.jit(kernel)(*tuple(_d.values())))

</pallas_src>

<mosaic_0001>
#map = affine_map<(d0, d1) -> (0, 0)>
#map1 = affine_map<(d0, d1) -> (0, 0, 0)>
module attributes {stable_mosaic.version = 14 : i64} {
  func.func @k(%arg0: i32, %arg1: i32, %arg2: memref<10112x128xf32, #tpu.memory_space<hbm>>, %arg3: memref<2560x128xi32, #tpu.memory_space<hbm>>, %arg4: memref<2560x128xi32, #tpu.memory_space<hbm>>, %arg5: memref<10112x128xf32, #tpu.memory_space<hbm>>, %arg6: memref<2x10112x128xf32, #tpu.memory_space<hbm>>, %arg7: memref<10112x128xf32, #tpu.memory_space<vmem_shared>>, %arg8: memref<40x128xi32, #tpu.memory_space<vmem>>, %arg9: memref<40x128xi32, #tpu.memory_space<vmem>>, %arg10: memref<128x128xf32, #tpu.memory_space<vmem>>, %arg11: memref<128x128xf32, #tpu.memory_space<vmem>>, %arg12: memref<!tpu.dma_semaphore, #tpu.memory_space<semaphore_mem>>, %arg13: memref<!tpu.dma_semaphore, #tpu.memory_space<semaphore_mem>>) attributes {dimension_semantics = [#tpu.dimension_semantics<core_parallel>, #tpu.dimension_semantics<subcore_parallel>], iteration_bounds = array<i64: 2, 16>, scalar_prefetch = 0 : i64, scratch_operands = 7 : i64, tpu.core_type = #tpu.core_type<sc_vector_subcore>, window_params = [{transform_indices = #map}, {transform_indices = #map}, {transform_indices = #map}, {transform_indices = #map}, {transform_indices = #map1}]} {
    %mul3A = arith.constant 632 : i32
    %mul3A_0 = arith.muli %arg1, %mul3A : i32
    "tpu.region"() ({
      %run_scoped3A = tpu.sem_alloc : memref<!tpu.dma_semaphore, #tpu.memory_space<semaphore_mem>>
      %dma_start3A = arith.constant 0 : i32
      %dma_start3A_10 = tpu.memref_slice %arg7[%mul3A_0, %dma_start3A] : memref<10112x128xf32, #tpu.memory_space<vmem_shared>> -> memref<632x128xf32, #tpu.memory_space<vmem_shared>>
      %dma_start3A_11 = arith.constant 0 : i32
      %dma_start3A_12 = tpu.memref_slice %arg5[%mul3A_0, %dma_start3A_11] : memref<10112x128xf32, #tpu.memory_space<hbm>> -> memref<632x128xf32, #tpu.memory_space<hbm>>
      tpu.enqueue_dma source(%dma_start3A_12 : memref<632x128xf32, #tpu.memory_space<hbm>>) target(%dma_start3A_10 : memref<632x128xf32, #tpu.memory_space<vmem_shared>>) target_semaphore(%run_scoped3A : memref<!tpu.dma_semaphore, #tpu.memory_space<semaphore_mem>>)
      %dma_wait3A = arith.constant 0 : i32
      %dma_wait3A_13 = tpu.memref_slice %arg7[%mul3A_0, %dma_wait3A] : memref<10112x128xf32, #tpu.memory_space<vmem_shared>> -> memref<632x128xf32, #tpu.memory_space<vmem_shared>>
      %dma_wait3A_14 = arith.constant 0 : i32
      %dma_wait3A_15 = tpu.memref_slice %arg5[%mul3A_0, %dma_wait3A_14] : memref<10112x128xf32, #tpu.memory_space<hbm>> -> memref<632x128xf32, #tpu.memory_space<hbm>>
      tpu.wait_dma2 semaphore(%run_scoped3A : memref<!tpu.dma_semaphore, #tpu.memory_space<semaphore_mem>>) src(%dma_wait3A_15 : memref<632x128xf32, #tpu.memory_space<hbm>>) dst(%dma_wait3A_13 : memref<632x128xf32, #tpu.memory_space<vmem_shared>>)
      tpu.yield
    }) : () -> ()
    %mul3A_1 = arith.constant 16 : i32
    %mul3A_2 = arith.muli %arg0, %mul3A_1 : i32
    %add3A = arith.addi %mul3A_2, %arg1 : i32
    %mul3A_3 = arith.constant 80 : i32
    %mul3A_4 = arith.muli %add3A, %mul3A_3 : i32
    %barrier3A = arith.constant 0 : index
    tpu.barrier barrier_id(%barrier3A)
    %scan3A = arith.constant 0 : i32
    %scan3A_5 = arith.constant 2 : i32
    %scan3A_6 = arith.addi %scan3A, %scan3A_5 : i32
    %scan3A_7 = arith.constant 1 : i32
    scf.for %scan3A_10 = %scan3A to %scan3A_6 step %scan3A_7  : i32 {
      %mul3A_11 = arith.constant 1 : i32
      %mul3A_12 = arith.muli %scan3A_10, %mul3A_11 : i32
      %add3A_13 = arith.constant 0 : i32
      %add3A_14 = arith.addi %add3A_13, %mul3A_12 : i32
      %mul3A_15 = arith.constant 40 : i32
      %mul3A_16 = arith.muli %add3A_14, %mul3A_15 : i32
      %add3A_17 = arith.addi %mul3A_4, %mul3A_16 : i32
      "tpu.region"() ({
        %run_scoped3A = tpu.sem_alloc : memref<!tpu.dma_semaphore, #tpu.memory_space<semaphore_mem>>
        %dma_start3A_32 = arith.constant 0 : i32
        %dma_start3A_33 = tpu.memref_slice %arg3[%add3A_17, %dma_start3A_32] : memref<2560x128xi32, #tpu.memory_space<hbm>> -> memref<40x128xi32, #tpu.memory_space<hbm>>
        %dma_start3A_34 = arith.constant 0 : i32
        %dma_start3A_35 = tpu.memref_slice %arg3[%add3A_17, %dma_start3A_34] : memref<2560x128xi32, #tpu.memory_space<hbm>> -> memref<40x128xi32, #tpu.memory_space<hbm>>
        tpu.enqueue_dma source(%dma_start3A_35 : memref<40x128xi32, #tpu.memory_space<hbm>>) target(%arg8 : memref<40x128xi32, #tpu.memory_space<vmem>>) target_semaphore(%run_scoped3A : memref<!tpu.dma_semaphore, #tpu.memory_space<semaphore_mem>>)
        %dma_wait3A = arith.constant 0 : i32
        %dma_wait3A_36 = tpu.memref_slice %arg3[%add3A_17, %dma_wait3A] : memref<2560x128xi32, #tpu.memory_space<hbm>> -> memref<40x128xi32, #tpu.memory_space<hbm>>
        %dma_wait3A_37 = arith.constant 0 : i32
        %dma_wait3A_38 = tpu.memref_slice %arg3[%add3A_17, %dma_wait3A_37] : memref<2560x128xi32, #tpu.memory_space<hbm>> -> memref<40x128xi32, #tpu.memory_space<hbm>>
        tpu.wait_dma2 semaphore(%run_scoped3A : memref<!tpu.dma_semaphore, #tpu.memory_space<semaphore_mem>>) src(%dma_wait3A_38 : memref<40x128xi32, #tpu.memory_space<hbm>>) dst(%arg8 : memref<40x128xi32, #tpu.memory_space<vmem>>)
        tpu.yield
      }) : () -> ()
      %mul3A_18 = arith.constant 40 : i32
      %mul3A_19 = arith.muli %add3A_14, %mul3A_18 : i32
      %add3A_20 = arith.addi %mul3A_4, %mul3A_19 : i32
      "tpu.region"() ({
        %run_scoped3A = tpu.sem_alloc : memref<!tpu.dma_semaphore, #tpu.memory_space<semaphore_mem>>
        %dma_start3A_32 = arith.constant 0 : i32
        %dma_start3A_33 = tpu.memref_slice %arg4[%add3A_20, %dma_start3A_32] : memref<2560x128xi32, #tpu.memory_space<hbm>> -> memref<40x128xi32, #tpu.memory_space<hbm>>
        %dma_start3A_34 = arith.constant 0 : i32
        %dma_start3A_35 = tpu.memref_slice %arg4[%add3A_20, %dma_start3A_34] : memref<2560x128xi32, #tpu.memory_space<hbm>> -> memref<40x128xi32, #tpu.memory_space<hbm>>
        tpu.enqueue_dma source(%dma_start3A_35 : memref<40x128xi32, #tpu.memory_space<hbm>>) target(%arg9 : memref<40x128xi32, #tpu.memory_space<vmem>>) target_semaphore(%run_scoped3A : memref<!tpu.dma_semaphore, #tpu.memory_space<semaphore_mem>>)
        %dma_wait3A = arith.constant 0 : i32
        %dma_wait3A_36 = tpu.memref_slice %arg4[%add3A_20, %dma_wait3A] : memref<2560x128xi32, #tpu.memory_space<hbm>> -> memref<40x128xi32, #tpu.memory_space<hbm>>
        %dma_wait3A_37 = arith.constant 0 : i32
        %dma_wait3A_38 = tpu.memref_slice %arg4[%add3A_20, %dma_wait3A_37] : memref<2560x128xi32, #tpu.memory_space<hbm>> -> memref<40x128xi32, #tpu.memory_space<hbm>>
        tpu.wait_dma2 semaphore(%run_scoped3A : memref<!tpu.dma_semaphore, #tpu.memory_space<semaphore_mem>>) src(%dma_wait3A_38 : memref<40x128xi32, #tpu.memory_space<hbm>>) dst(%arg9 : memref<40x128xi32, #tpu.memory_space<vmem>>)
        tpu.yield
      }) : () -> ()
      %dma_start3A = arith.constant 0 : i32
      %dma_start3A_21 = arith.constant 0 : i32
      %dma_start3A_22 = tpu.memref_slice %arg8[%dma_start3A, %dma_start3A_21] : memref<40x128xi32, #tpu.memory_space<vmem>> -> memref<1x128xi32, #tpu.memory_space<vmem>>
      %dma_start3A_23 = tpu.memref_squeeze %dma_start3A_22 : memref<1x128xi32, #tpu.memory_space<vmem>> -> memref<128xi32, #tpu.memory_space<vmem>>
      %dma_start3A_24 = arith.constant 0 : i32
      %dma_start3A_25 = arith.constant 0 : i32
      %dma_start3A_26 = tpu.memref_slice %arg2[%dma_start3A_24, %dma_start3A_25] : memref<10112x128xf32, #tpu.memory_space<hbm>> -> memref<10112x128xf32, #tpu.memory_space<hbm>>
      tpu.enqueue_indirect_dma source(%dma_start3A_26 : memref<10112x128xf32, #tpu.memory_space<hbm>>) target(%arg10 : memref<128x128xf32, #tpu.memory_space<vmem>>) offsets(%dma_start3A_23 : memref<128xi32, #tpu.memory_space<vmem>>) semaphore(%arg12 : memref<!tpu.dma_semaphore, #tpu.memory_space<semaphore_mem>>)
      %scan3A_27 = arith.constant 0 : i32
      %scan3A_28 = arith.constant 20 : i32
      %scan3A_29 = arith.addi %scan3A_27, %scan3A_28 : i32
      %scan3A_30 = arith.constant 1 : i32
      scf.for %scan3A_32 = %scan3A_27 to %scan3A_29 step %scan3A_30  : i32 {
        %mul3A_33 = arith.constant 1 : i32
        %mul3A_34 = arith.muli %scan3A_32, %mul3A_33 : i32
        %add3A_35 = arith.constant 0 : i32
        %add3A_36 = arith.addi %add3A_35, %mul3A_34 : i32
        %mul3A_37 = arith.constant 2 : i32
        %mul3A_38 = arith.muli %mul3A_37, %add3A_36 : i32
        %add3A_39 = arith.constant 1 : i32
        %add3A_40 = arith.addi %mul3A_38, %add3A_39 : i32
        %dma_start3A_41 = arith.constant 0 : i32
        %dma_start3A_42 = tpu.memref_slice %arg8[%add3A_40, %dma_start3A_41] : memref<40x128xi32, #tpu.memory_space<vmem>> -> memref<1x128xi32, #tpu.memory_space<vmem>>
        %dma_start3A_43 = tpu.memref_squeeze %dma_start3A_42 : memref<1x128xi32, #tpu.memory_space<vmem>> -> memref<128xi32, #tpu.memory_space<vmem>>
        %dma_start3A_44 = arith.constant 0 : i32
        %dma_start3A_45 = arith.constant 0 : i32
        %dma_start3A_46 = tpu.memref_slice %arg2[%dma_start3A_44, %dma_start3A_45] : memref<10112x128xf32, #tpu.memory_space<hbm>> -> memref<10112x128xf32, #tpu.memory_space<hbm>>
        tpu.enqueue_indirect_dma source(%dma_start3A_46 : memref<10112x128xf32, #tpu.memory_space<hbm>>) target(%arg11 : memref<128x128xf32, #tpu.memory_space<vmem>>) offsets(%dma_start3A_43 : memref<128xi32, #tpu.memory_space<vmem>>) semaphore(%arg13 : memref<!tpu.dma_semaphore, #tpu.memory_space<semaphore_mem>>)
        %dma_wait3A = arith.constant 0 : i32
        %dma_wait3A_47 = tpu.memref_slice %arg8[%mul3A_38, %dma_wait3A] : memref<40x128xi32, #tpu.memory_space<vmem>> -> memref<1x128xi32, #tpu.memory_space<vmem>>
        %dma_wait3A_48 = tpu.memref_squeeze %dma_wait3A_47 : memref<1x128xi32, #tpu.memory_space<vmem>> -> memref<128xi32, #tpu.memory_space<vmem>>
        %dma_wait3A_49 = arith.constant 0 : i32
        %dma_wait3A_50 = arith.constant 0 : i32
        %dma_wait3A_51 = tpu.memref_slice %arg2[%dma_wait3A_49, %dma_wait3A_50] : memref<10112x128xf32, #tpu.memory_space<hbm>> -> memref<10112x128xf32, #tpu.memory_space<hbm>>
        tpu.wait_indirect_dma semaphore(%arg12 : memref<!tpu.dma_semaphore, #tpu.memory_space<semaphore_mem>>) src(%dma_wait3A_51 : memref<10112x128xf32, #tpu.memory_space<hbm>>) dst(%arg10 : memref<128x128xf32, #tpu.memory_space<vmem>>)
        "tpu.region"() ({
          %run_scoped3A = tpu.sem_alloc : memref<!tpu.dma_semaphore, #tpu.memory_space<semaphore_mem>>
          %dma_start3A_66 = arith.constant 0 : i32
          %dma_start3A_67 = tpu.memref_slice %arg9[%mul3A_38, %dma_start3A_66] : memref<40x128xi32, #tpu.memory_space<vmem>> -> memref<1x128xi32, #tpu.memory_space<vmem>>
          %dma_start3A_68 = tpu.memref_squeeze %dma_start3A_67 : memref<1x128xi32, #tpu.memory_space<vmem>> -> memref<128xi32, #tpu.memory_space<vmem>>
          %dma_start3A_69 = arith.constant 0 : i32
          %dma_start3A_70 = arith.constant 0 : i32
          %dma_start3A_71 = tpu.memref_slice %arg7[%dma_start3A_69, %dma_start3A_70] : memref<10112x128xf32, #tpu.memory_space<vmem_shared>> -> memref<10112x128xf32, #tpu.memory_space<vmem_shared>>
          tpu.enqueue_indirect_dma source(%arg10 : memref<128x128xf32, #tpu.memory_space<vmem>>) target(%dma_start3A_71 : memref<10112x128xf32, #tpu.memory_space<vmem_shared>>) offsets(%dma_start3A_68 : memref<128xi32, #tpu.memory_space<vmem>>) semaphore(%run_scoped3A : memref<!tpu.dma_semaphore, #tpu.memory_space<semaphore_mem>>) {add = true}
          %dma_wait3A_72 = arith.constant 0 : i32
          %dma_wait3A_73 = tpu.memref_slice %arg9[%mul3A_38, %dma_wait3A_72] : memref<40x128xi32, #tpu.memory_space<vmem>> -> memref<1x128xi32, #tpu.memory_space<vmem>>
          %dma_wait3A_74 = tpu.memref_squeeze %dma_wait3A_73 : memref<1x128xi32, #tpu.memory_space<vmem>> -> memref<128xi32, #tpu.memory_space<vmem>>
          %dma_wait3A_75 = arith.constant 0 : i32
          %dma_wait3A_76 = arith.constant 0 : i32
          %dma_wait3A_77 = tpu.memref_slice %arg7[%dma_wait3A_75, %dma_wait3A_76] : memref<10112x128xf32, #tpu.memory_space<vmem_shared>> -> memref<10112x128xf32, #tpu.memory_space<vmem_shared>>
          tpu.wait_indirect_dma semaphore(%run_scoped3A : memref<!tpu.dma_semaphore, #tpu.memory_space<semaphore_mem>>) src(%arg10 : memref<128x128xf32, #tpu.memory_space<vmem>>) dst(%dma_wait3A_77 : memref<10112x128xf32, #tpu.memory_space<vmem_shared>>)
          tpu.yield
        }) : () -> ()
        %add3A_52 = arith.constant 2 : i32
        %add3A_53 = arith.addi %mul3A_38, %add3A_52 : i32
        %lt3A = arith.constant 40 : i32
        %lt3A_54 = arith.cmpi slt, %add3A_53, %lt3A : i32
        %convert_element_type3A = arith.extui %lt3A_54 : i1 to i32
        %cond3A = arith.constant 0 : i32
        %cond3A_55 = arith.cmpi ne, %convert_element_type3A, %cond3A : i32
        scf.if %cond3A_55 {
          %add3A_66 = arith.constant 2 : i32
          %add3A_67 = arith.addi %mul3A_38, %add3A_66 : i32
          %dma_start3A_68 = arith.constant 0 : i32
          %dma_start3A_69 = tpu.memref_slice %arg8[%add3A_67, %dma_start3A_68] : memref<40x128xi32, #tpu.memory_space<vmem>> -> memref<1x128xi32, #tpu.memory_space<vmem>>
          %dma_start3A_70 = tpu.memref_squeeze %dma_start3A_69 : memref<1x128xi32, #tpu.memory_space<vmem>> -> memref<128xi32, #tpu.memory_space<vmem>>
          %dma_start3A_71 = arith.constant 0 : i32
          %dma_start3A_72 = arith.constant 0 : i32
          %dma_start3A_73 = tpu.memref_slice %arg2[%dma_start3A_71, %dma_start3A_72] : memref<10112x128xf32, #tpu.memory_space<hbm>> -> memref<10112x128xf32, #tpu.memory_space<hbm>>
          tpu.enqueue_indirect_dma source(%dma_start3A_73 : memref<10112x128xf32, #tpu.memory_space<hbm>>) target(%arg10 : memref<128x128xf32, #tpu.memory_space<vmem>>) offsets(%dma_start3A_70 : memref<128xi32, #tpu.memory_space<vmem>>) semaphore(%arg12 : memref<!tpu.dma_semaphore, #tpu.memory_space<semaphore_mem>>)
        } else {
        }
        %add3A_56 = arith.constant 1 : i32
        %add3A_57 = arith.addi %mul3A_38, %add3A_56 : i32
        %dma_wait3A_58 = arith.constant 0 : i32
        %dma_wait3A_59 = tpu.memref_slice %arg8[%add3A_57, %dma_wait3A_58] : memref<40x128xi32, #tpu.memory_space<vmem>> -> memref<1x128xi32, #tpu.memory_space<vmem>>
        %dma_wait3A_60 = tpu.memref_squeeze %dma_wait3A_59 : memref<1x128xi32, #tpu.memory_space<vmem>> -> memref<128xi32, #tpu.memory_space<vmem>>
        %dma_wait3A_61 = arith.constant 0 : i32
        %dma_wait3A_62 = arith.constant 0 : i32
        %dma_wait3A_63 = tpu.memref_slice %arg2[%dma_wait3A_61, %dma_wait3A_62] : memref<10112x128xf32, #tpu.memory_space<hbm>> -> memref<10112x128xf32, #tpu.memory_space<hbm>>
        tpu.wait_indirect_dma semaphore(%arg13 : memref<!tpu.dma_semaphore, #tpu.memory_space<semaphore_mem>>) src(%dma_wait3A_63 : memref<10112x128xf32, #tpu.memory_space<hbm>>) dst(%arg11 : memref<128x128xf32, #tpu.memory_space<vmem>>)
        %add3A_64 = arith.constant 1 : i32
        %add3A_65 = arith.addi %mul3A_38, %add3A_64 : i32
        "tpu.region"() ({
          %run_scoped3A = tpu.sem_alloc : memref<!tpu.dma_semaphore, #tpu.memory_space<semaphore_mem>>
          %dma_start3A_66 = arith.constant 0 : i32
          %dma_start3A_67 = tpu.memref_slice %arg9[%add3A_65, %dma_start3A_66] : memref<40x128xi32, #tpu.memory_space<vmem>> -> memref<1x128xi32, #tpu.memory_space<vmem>>
          %dma_start3A_68 = tpu.memref_squeeze %dma_start3A_67 : memref<1x128xi32, #tpu.memory_space<vmem>> -> memref<128xi32, #tpu.memory_space<vmem>>
          %dma_start3A_69 = arith.constant 0 : i32
          %dma_start3A_70 = arith.constant 0 : i32
          %dma_start3A_71 = tpu.memref_slice %arg7[%dma_start3A_69, %dma_start3A_70] : memref<10112x128xf32, #tpu.memory_space<vmem_shared>> -> memref<10112x128xf32, #tpu.memory_space<vmem_shared>>
          tpu.enqueue_indirect_dma source(%arg11 : memref<128x128xf32, #tpu.memory_space<vmem>>) target(%dma_start3A_71 : memref<10112x128xf32, #tpu.memory_space<vmem_shared>>) offsets(%dma_start3A_68 : memref<128xi32, #tpu.memory_space<vmem>>) semaphore(%run_scoped3A : memref<!tpu.dma_semaphore, #tpu.memory_space<semaphore_mem>>) {add = true}
          %dma_wait3A_72 = arith.constant 0 : i32
          %dma_wait3A_73 = tpu.memref_slice %arg9[%add3A_65, %dma_wait3A_72] : memref<40x128xi32, #tpu.memory_space<vmem>> -> memref<1x128xi32, #tpu.memory_space<vmem>>
          %dma_wait3A_74 = tpu.memref_squeeze %dma_wait3A_73 : memref<1x128xi32, #tpu.memory_space<vmem>> -> memref<128xi32, #tpu.memory_space<vmem>>
          %dma_wait3A_75 = arith.constant 0 : i32
          %dma_wait3A_76 = arith.constant 0 : i32
          %dma_wait3A_77 = tpu.memref_slice %arg7[%dma_wait3A_75, %dma_wait3A_76] : memref<10112x128xf32, #tpu.memory_space<vmem_shared>> -> memref<10112x128xf32, #tpu.memory_space<vmem_shared>>
          tpu.wait_indirect_dma semaphore(%run_scoped3A : memref<!tpu.dma_semaphore, #tpu.memory_space<semaphore_mem>>) src(%arg11 : memref<128x128xf32, #tpu.memory_space<vmem>>) dst(%dma_wait3A_77 : memref<10112x128xf32, #tpu.memory_space<vmem_shared>>)
          tpu.yield
        }) : () -> ()
      }
      %scan3A_31 = arith.constant 20 : i32
    }
    %scan3A_8 = arith.constant 2 : i32
    %barrier3A_9 = arith.constant 0 : index
    tpu.barrier barrier_id(%barrier3A_9)
    "tpu.region"() ({
      %run_scoped3A = tpu.sem_alloc : memref<!tpu.dma_semaphore, #tpu.memory_space<semaphore_mem>>
      %dma_start3A = arith.constant 0 : i32
      %dma_start3A_10 = tpu.memref_slice %arg6[%arg0, %mul3A_0, %dma_start3A] : memref<2x10112x128xf32, #tpu.memory_space<hbm>> -> memref<1x632x128xf32, #tpu.memory_space<hbm>>
      %dma_start3A_11 = tpu.memref_squeeze %dma_start3A_10 : memref<1x632x128xf32, #tpu.memory_space<hbm>> -> memref<632x128xf32, #tpu.memory_space<hbm>>
      %dma_start3A_12 = arith.constant 0 : i32
      %dma_start3A_13 = tpu.memref_slice %arg7[%mul3A_0, %dma_start3A_12] : memref<10112x128xf32, #tpu.memory_space<vmem_shared>> -> memref<632x128xf32, #tpu.memory_space<vmem_shared>>
      tpu.enqueue_dma source(%dma_start3A_13 : memref<632x128xf32, #tpu.memory_space<vmem_shared>>) target(%dma_start3A_11 : memref<632x128xf32, #tpu.memory_space<hbm>>) target_semaphore(%run_scoped3A : memref<!tpu.dma_semaphore, #tpu.memory_space<semaphore_mem>>)
      %dma_wait3A = arith.constant 0 : i32
      %dma_wait3A_14 = tpu.memref_slice %arg6[%arg0, %mul3A_0, %dma_wait3A] : memref<2x10112x128xf32, #tpu.memory_space<hbm>> -> memref<1x632x128xf32, #tpu.memory_space<hbm>>
      %dma_wait3A_15 = tpu.memref_squeeze %dma_wait3A_14 : memref<1x632x128xf32, #tpu.memory_space<hbm>> -> memref<632x128xf32, #tpu.memory_space<hbm>>
      %dma_wait3A_16 = arith.constant 0 : i32
      %dma_wait3A_17 = tpu.memref_slice %arg7[%mul3A_0, %dma_wait3A_16] : memref<10112x128xf32, #tpu.memory_space<vmem_shared>> -> memref<632x128xf32, #tpu.memory_space<vmem_shared>>
      tpu.wait_dma2 semaphore(%run_scoped3A : memref<!tpu.dma_semaphore, #tpu.memory_space<semaphore_mem>>) src(%dma_wait3A_17 : memref<632x128xf32, #tpu.memory_space<vmem_shared>>) dst(%dma_wait3A_15 : memref<632x128xf32, #tpu.memory_space<hbm>>)
      tpu.yield
    }) : () -> ()
    return
  }
}

#map = affine_map<(d0, d1) -> (0, 0)>
#map1 = affine_map<(d0, d1) -> (0, 0, 0)>
module attributes {stable_mosaic.version = 14 : i64} {
  func.func @k(%arg0: i32, %arg1: i32, %arg2: memref<20224x128xf32, #tpu.memory_space<hbm>>, %arg3: memref<2x2560x128xi32, #tpu.memory_space<hbm>>, %arg4: memref<2560x128xi32, #tpu.memory_space<hbm>>, %arg5: memref<10112x128xf32, #tpu.memory_space<hbm>>, %arg6: memref<2x10112x128xf32, #tpu.memory_space<hbm>>, %arg7: memref<10112x128xf32, #tpu.memory_space<vmem_shared>>, %arg8: memref<32x128xi32, #tpu.memory_space<vmem>>, %arg9: memref<32x128xi32, #tpu.memory_space<vmem>>, %arg10: memref<128x128xf32, #tpu.memory_space<vmem>>, %arg11: memref<128x128xf32, #tpu.memory_space<vmem>>, %arg12: memref<!tpu.dma_semaphore, #tpu.memory_space<semaphore_mem>>, %arg13: memref<!tpu.dma_semaphore, #tpu.memory_space<semaphore_mem>>) attributes {dimension_semantics = [#tpu.dimension_semantics<core_parallel>, #tpu.dimension_semantics<subcore_parallel>], iteration_bounds = array<i64: 2, 16>, scalar_prefetch = 0 : i64, scratch_operands = 7 : i64, tpu.core_type = #tpu.core_type<sc_vector_subcore>, window_params = [{transform_indices = #map}, {transform_indices = #map1}, {transform_indices = #map}, {transform_indices = #map}, {transform_indices = #map1}]} {
    %mul3A = arith.constant 632 : i32
    %mul3A_0 = arith.muli %arg1, %mul3A : i32
    "tpu.region"() ({
      %run_scoped3A = tpu.sem_alloc : memref<!tpu.dma_semaphore, #tpu.memory_space<semaphore_mem>>
      %dma_start3A = arith.constant 0 : i32
      %dma_start3A_8 = tpu.memref_slice %arg7[%mul3A_0, %dma_start3A] : memref<10112x128xf32, #tpu.memory_space<vmem_shared>> -> memref<632x128xf32, #tpu.memory_space<vmem_shared>>
      %dma_start3A_9 = arith.constant 0 : i32
      %dma_start3A_10 = tpu.memref_slice %arg5[%mul3A_0, %dma_start3A_9] : memref<10112x128xf32, #tpu.memory_space<hbm>> -> memref<632x128xf32, #tpu.memory_space<hbm>>
      tpu.enqueue_dma source(%dma_start3A_10 : memref<632x128xf32, #tpu.memory_space<hbm>>) target(%dma_start3A_8 : memref<632x128xf32, #tpu.memory_space<vmem_shared>>) target_semaphore(%run_scoped3A : memref<!tpu.dma_semaphore, #tpu.memory_space<semaphore_mem>>)
      %dma_wait3A = arith.constant 0 : i32
      %dma_wait3A_11 = tpu.memref_slice %arg7[%mul3A_0, %dma_wait3A] : memref<10112x128xf32, #tpu.memory_space<vmem_shared>> -> memref<632x128xf32, #tpu.memory_space<vmem_shared>>
      %dma_wait3A_12 = arith.constant 0 : i32
      %dma_wait3A_13 = tpu.memref_slice %arg5[%mul3A_0, %dma_wait3A_12] : memref<10112x128xf32, #tpu.memory_space<hbm>> -> memref<632x128xf32, #tpu.memory_space<hbm>>
      tpu.wait_dma2 semaphore(%run_scoped3A : memref<!tpu.dma_semaphore, #tpu.memory_space<semaphore_mem>>) src(%dma_wait3A_13 : memref<632x128xf32, #tpu.memory_space<hbm>>) dst(%dma_wait3A_11 : memref<632x128xf32, #tpu.memory_space<vmem_shared>>)
      tpu.yield
    }) : () -> ()
    %mul3A_1 = arith.constant 160 : i32
    %mul3A_2 = arith.muli %arg1, %mul3A_1 : i32
    %barrier3A = arith.constant 0 : index
    tpu.barrier barrier_id(%barrier3A)
    %scan3A = arith.constant 0 : i32
    %scan3A_3 = arith.constant 5 : i32
    %scan3A_4 = arith.addi %scan3A, %scan3A_3 : i32
    %scan3A_5 = arith.constant 1 : i32
    scf.for %scan3A_8 = %scan3A to %scan3A_4 step %scan3A_5  : i32 {
      %mul3A_9 = arith.constant 1 : i32
      %mul3A_10 = arith.muli %scan3A_8, %mul3A_9 : i32
      %add3A = arith.constant 0 : i32
      %add3A_11 = arith.addi %add3A, %mul3A_10 : i32
      %mul3A_12 = arith.constant 32 : i32
      %mul3A_13 = arith.muli %add3A_11, %mul3A_12 : i32
      %add3A_14 = arith.addi %mul3A_2, %mul3A_13 : i32
      "tpu.region"() ({
        %run_scoped3A = tpu.sem_alloc : memref<!tpu.dma_semaphore, #tpu.memory_space<semaphore_mem>>
        %dma_start3A_29 = arith.constant 0 : i32
        %dma_start3A_30 = tpu.memref_slice %arg3[%arg0, %add3A_14, %dma_start3A_29] : memref<2x2560x128xi32, #tpu.memory_space<hbm>> -> memref<1x32x128xi32, #tpu.memory_space<hbm>>
        %dma_start3A_31 = tpu.memref_squeeze %dma_start3A_30 : memref<1x32x128xi32, #tpu.memory_space<hbm>> -> memref<32x128xi32, #tpu.memory_space<hbm>>
        %dma_start3A_32 = arith.constant 0 : i32
        %dma_start3A_33 = tpu.memref_slice %arg3[%arg0, %add3A_14, %dma_start3A_32] : memref<2x2560x128xi32, #tpu.memory_space<hbm>> -> memref<1x32x128xi32, #tpu.memory_space<hbm>>
        %dma_start3A_34 = tpu.memref_squeeze %dma_start3A_33 : memref<1x32x128xi32, #tpu.memory_space<hbm>> -> memref<32x128xi32, #tpu.memory_space<hbm>>
        tpu.enqueue_dma source(%dma_start3A_34 : memref<32x128xi32, #tpu.memory_space<hbm>>) target(%arg8 : memref<32x128xi32, #tpu.memory_space<vmem>>) target_semaphore(%run_scoped3A : memref<!tpu.dma_semaphore, #tpu.memory_space<semaphore_mem>>)
        %dma_wait3A = arith.constant 0 : i32
        %dma_wait3A_35 = tpu.memref_slice %arg3[%arg0, %add3A_14, %dma_wait3A] : memref<2x2560x128xi32, #tpu.memory_space<hbm>> -> memref<1x32x128xi32, #tpu.memory_space<hbm>>
        %dma_wait3A_36 = tpu.memref_squeeze %dma_wait3A_35 : memref<1x32x128xi32, #tpu.memory_space<hbm>> -> memref<32x128xi32, #tpu.memory_space<hbm>>
        %dma_wait3A_37 = arith.constant 0 : i32
        %dma_wait3A_38 = tpu.memref_slice %arg3[%arg0, %add3A_14, %dma_wait3A_37] : memref<2x2560x128xi32, #tpu.memory_space<hbm>> -> memref<1x32x128xi32, #tpu.memory_space<hbm>>
        %dma_wait3A_39 = tpu.memref_squeeze %dma_wait3A_38 : memref<1x32x128xi32, #tpu.memory_space<hbm>> -> memref<32x128xi32, #tpu.memory_space<hbm>>
        tpu.wait_dma2 semaphore(%run_scoped3A : memref<!tpu.dma_semaphore, #tpu.memory_space<semaphore_mem>>) src(%dma_wait3A_39 : memref<32x128xi32, #tpu.memory_space<hbm>>) dst(%arg8 : memref<32x128xi32, #tpu.memory_space<vmem>>)
        tpu.yield
      }) : () -> ()
      %mul3A_15 = arith.constant 32 : i32
      %mul3A_16 = arith.muli %add3A_11, %mul3A_15 : i32
      %add3A_17 = arith.addi %mul3A_2, %mul3A_16 : i32
      "tpu.region"() ({
        %run_scoped3A = tpu.sem_alloc : memref<!tpu.dma_semaphore, #tpu.memory_space<semaphore_mem>>
        %dma_start3A_29 = arith.constant 0 : i32
        %dma_start3A_30 = tpu.memref_slice %arg4[%add3A_17, %dma_start3A_29] : memref<2560x128xi32, #tpu.memory_space<hbm>> -> memref<32x128xi32, #tpu.memory_space<hbm>>
        %dma_start3A_31 = arith.constant 0 : i32
        %dma_start3A_32 = tpu.memref_slice %arg4[%add3A_17, %dma_start3A_31] : memref<2560x128xi32, #tpu.memory_space<hbm>> -> memref<32x128xi32, #tpu.memory_space<hbm>>
        tpu.enqueue_dma source(%dma_start3A_32 : memref<32x128xi32, #tpu.memory_space<hbm>>) target(%arg9 : memref<32x128xi32, #tpu.memory_space<vmem>>) target_semaphore(%run_scoped3A : memref<!tpu.dma_semaphore, #tpu.memory_space<semaphore_mem>>)
        %dma_wait3A = arith.constant 0 : i32
        %dma_wait3A_33 = tpu.memref_slice %arg4[%add3A_17, %dma_wait3A] : memref<2560x128xi32, #tpu.memory_space<hbm>> -> memref<32x128xi32, #tpu.memory_space<hbm>>
        %dma_wait3A_34 = arith.constant 0 : i32
        %dma_wait3A_35 = tpu.memref_slice %arg4[%add3A_17, %dma_wait3A_34] : memref<2560x128xi32, #tpu.memory_space<hbm>> -> memref<32x128xi32, #tpu.memory_space<hbm>>
        tpu.wait_dma2 semaphore(%run_scoped3A : memref<!tpu.dma_semaphore, #tpu.memory_space<semaphore_mem>>) src(%dma_wait3A_35 : memref<32x128xi32, #tpu.memory_space<hbm>>) dst(%arg9 : memref<32x128xi32, #tpu.memory_space<vmem>>)
        tpu.yield
      }) : () -> ()
      %dma_start3A = arith.constant 0 : i32
      %dma_start3A_18 = arith.constant 0 : i32
      %dma_start3A_19 = tpu.memref_slice %arg8[%dma_start3A, %dma_start3A_18] : memref<32x128xi32, #tpu.memory_space<vmem>> -> memref<1x128xi32, #tpu.memory_space<vmem>>
      %dma_start3A_20 = tpu.memref_squeeze %dma_start3A_19 : memref<1x128xi32, #tpu.memory_space<vmem>> -> memref<128xi32, #tpu.memory_space<vmem>>
      %dma_start3A_21 = arith.constant 0 : i32
      %dma_start3A_22 = arith.constant 0 : i32
      %dma_start3A_23 = tpu.memref_slice %arg2[%dma_start3A_21, %dma_start3A_22] : memref<20224x128xf32, #tpu.memory_space<hbm>> -> memref<20224x128xf32, #tpu.memory_space<hbm>>
      tpu.enqueue_indirect_dma source(%dma_start3A_23 : memref<20224x128xf32, #tpu.memory_space<hbm>>) target(%arg10 : memref<128x128xf32, #tpu.memory_space<vmem>>) offsets(%dma_start3A_20 : memref<128xi32, #tpu.memory_space<vmem>>) semaphore(%arg12 : memref<!tpu.dma_semaphore, #tpu.memory_space<semaphore_mem>>)
      %scan3A_24 = arith.constant 0 : i32
      %scan3A_25 = arith.constant 16 : i32
      %scan3A_26 = arith.addi %scan3A_24, %scan3A_25 : i32
      %scan3A_27 = arith.constant 1 : i32
      scf.for %scan3A_29 = %scan3A_24 to %scan3A_26 step %scan3A_27  : i32 {
        %mul3A_30 = arith.constant 1 : i32
        %mul3A_31 = arith.muli %scan3A_29, %mul3A_30 : i32
        %add3A_32 = arith.constant 0 : i32
        %add3A_33 = arith.addi %add3A_32, %mul3A_31 : i32
        %mul3A_34 = arith.constant 2 : i32
        %mul3A_35 = arith.muli %mul3A_34, %add3A_33 : i32
        %add3A_36 = arith.constant 1 : i32
        %add3A_37 = arith.addi %mul3A_35, %add3A_36 : i32
        %dma_start3A_38 = arith.constant 0 : i32
        %dma_start3A_39 = tpu.memref_slice %arg8[%add3A_37, %dma_start3A_38] : memref<32x128xi32, #tpu.memory_space<vmem>> -> memref<1x128xi32, #tpu.memory_space<vmem>>
        %dma_start3A_40 = tpu.memref_squeeze %dma_start3A_39 : memref<1x128xi32, #tpu.memory_space<vmem>> -> memref<128xi32, #tpu.memory_space<vmem>>
        %dma_start3A_41 = arith.constant 0 : i32
        %dma_start3A_42 = arith.constant 0 : i32
        %dma_start3A_43 = tpu.memref_slice %arg2[%dma_start3A_41, %dma_start3A_42] : memref<20224x128xf32, #tpu.memory_space<hbm>> -> memref<20224x128xf32, #tpu.memory_space<hbm>>
        tpu.enqueue_indirect_dma source(%dma_start3A_43 : memref<20224x128xf32, #tpu.memory_space<hbm>>) target(%arg11 : memref<128x128xf32, #tpu.memory_space<vmem>>) offsets(%dma_start3A_40 : memref<128xi32, #tpu.memory_space<vmem>>) semaphore(%arg13 : memref<!tpu.dma_semaphore, #tpu.memory_space<semaphore_mem>>)
        %dma_wait3A = arith.constant 0 : i32
        %dma_wait3A_44 = tpu.memref_slice %arg8[%mul3A_35, %dma_wait3A] : memref<32x128xi32, #tpu.memory_space<vmem>> -> memref<1x128xi32, #tpu.memory_space<vmem>>
        %dma_wait3A_45 = tpu.memref_squeeze %dma_wait3A_44 : memref<1x128xi32, #tpu.memory_space<vmem>> -> memref<128xi32, #tpu.memory_space<vmem>>
        %dma_wait3A_46 = arith.constant 0 : i32
        %dma_wait3A_47 = arith.constant 0 : i32
        %dma_wait3A_48 = tpu.memref_slice %arg2[%dma_wait3A_46, %dma_wait3A_47] : memref<20224x128xf32, #tpu.memory_space<hbm>> -> memref<20224x128xf32, #tpu.memory_space<hbm>>
        tpu.wait_indirect_dma semaphore(%arg12 : memref<!tpu.dma_semaphore, #tpu.memory_space<semaphore_mem>>) src(%dma_wait3A_48 : memref<20224x128xf32, #tpu.memory_space<hbm>>) dst(%arg10 : memref<128x128xf32, #tpu.memory_space<vmem>>)
        "tpu.region"() ({
          %run_scoped3A = tpu.sem_alloc : memref<!tpu.dma_semaphore, #tpu.memory_space<semaphore_mem>>
          %dma_start3A_63 = arith.constant 0 : i32
          %dma_start3A_64 = tpu.memref_slice %arg9[%mul3A_35, %dma_start3A_63] : memref<32x128xi32, #tpu.memory_space<vmem>> -> memref<1x128xi32, #tpu.memory_space<vmem>>
          %dma_start3A_65 = tpu.memref_squeeze %dma_start3A_64 : memref<1x128xi32, #tpu.memory_space<vmem>> -> memref<128xi32, #tpu.memory_space<vmem>>
          %dma_start3A_66 = arith.constant 0 : i32
          %dma_start3A_67 = arith.constant 0 : i32
          %dma_start3A_68 = tpu.memref_slice %arg7[%dma_start3A_66, %dma_start3A_67] : memref<10112x128xf32, #tpu.memory_space<vmem_shared>> -> memref<10112x128xf32, #tpu.memory_space<vmem_shared>>
          tpu.enqueue_indirect_dma source(%arg10 : memref<128x128xf32, #tpu.memory_space<vmem>>) target(%dma_start3A_68 : memref<10112x128xf32, #tpu.memory_space<vmem_shared>>) offsets(%dma_start3A_65 : memref<128xi32, #tpu.memory_space<vmem>>) semaphore(%run_scoped3A : memref<!tpu.dma_semaphore, #tpu.memory_space<semaphore_mem>>) {add = true}
          %dma_wait3A_69 = arith.constant 0 : i32
          %dma_wait3A_70 = tpu.memref_slice %arg9[%mul3A_35, %dma_wait3A_69] : memref<32x128xi32, #tpu.memory_space<vmem>> -> memref<1x128xi32, #tpu.memory_space<vmem>>
          %dma_wait3A_71 = tpu.memref_squeeze %dma_wait3A_70 : memref<1x128xi32, #tpu.memory_space<vmem>> -> memref<128xi32, #tpu.memory_space<vmem>>
          %dma_wait3A_72 = arith.constant 0 : i32
          %dma_wait3A_73 = arith.constant 0 : i32
          %dma_wait3A_74 = tpu.memref_slice %arg7[%dma_wait3A_72, %dma_wait3A_73] : memref<10112x128xf32, #tpu.memory_space<vmem_shared>> -> memref<10112x128xf32, #tpu.memory_space<vmem_shared>>
          tpu.wait_indirect_dma semaphore(%run_scoped3A : memref<!tpu.dma_semaphore, #tpu.memory_space<semaphore_mem>>) src(%arg10 : memref<128x128xf32, #tpu.memory_space<vmem>>) dst(%dma_wait3A_74 : memref<10112x128xf32, #tpu.memory_space<vmem_shared>>)
          tpu.yield
        }) : () -> ()
        %add3A_49 = arith.constant 2 : i32
        %add3A_50 = arith.addi %mul3A_35, %add3A_49 : i32
        %lt3A = arith.constant 32 : i32
        %lt3A_51 = arith.cmpi slt, %add3A_50, %lt3A : i32
        %convert_element_type3A = arith.extui %lt3A_51 : i1 to i32
        %cond3A = arith.constant 0 : i32
        %cond3A_52 = arith.cmpi ne, %convert_element_type3A, %cond3A : i32
        scf.if %cond3A_52 {
          %add3A_63 = arith.constant 2 : i32
          %add3A_64 = arith.addi %mul3A_35, %add3A_63 : i32
          %dma_start3A_65 = arith.constant 0 : i32
          %dma_start3A_66 = tpu.memref_slice %arg8[%add3A_64, %dma_start3A_65] : memref<32x128xi32, #tpu.memory_space<vmem>> -> memref<1x128xi32, #tpu.memory_space<vmem>>
          %dma_start3A_67 = tpu.memref_squeeze %dma_start3A_66 : memref<1x128xi32, #tpu.memory_space<vmem>> -> memref<128xi32, #tpu.memory_space<vmem>>
          %dma_start3A_68 = arith.constant 0 : i32
          %dma_start3A_69 = arith.constant 0 : i32
          %dma_start3A_70 = tpu.memref_slice %arg2[%dma_start3A_68, %dma_start3A_69] : memref<20224x128xf32, #tpu.memory_space<hbm>> -> memref<20224x128xf32, #tpu.memory_space<hbm>>
          tpu.enqueue_indirect_dma source(%dma_start3A_70 : memref<20224x128xf32, #tpu.memory_space<hbm>>) target(%arg10 : memref<128x128xf32, #tpu.memory_space<vmem>>) offsets(%dma_start3A_67 : memref<128xi32, #tpu.memory_space<vmem>>) semaphore(%arg12 : memref<!tpu.dma_semaphore, #tpu.memory_space<semaphore_mem>>)
        } else {
        }
        %add3A_53 = arith.constant 1 : i32
        %add3A_54 = arith.addi %mul3A_35, %add3A_53 : i32
        %dma_wait3A_55 = arith.constant 0 : i32
        %dma_wait3A_56 = tpu.memref_slice %arg8[%add3A_54, %dma_wait3A_55] : memref<32x128xi32, #tpu.memory_space<vmem>> -> memref<1x128xi32, #tpu.memory_space<vmem>>
        %dma_wait3A_57 = tpu.memref_squeeze %dma_wait3A_56 : memref<1x128xi32, #tpu.memory_space<vmem>> -> memref<128xi32, #tpu.memory_space<vmem>>
        %dma_wait3A_58 = arith.constant 0 : i32
        %dma_wait3A_59 = arith.constant 0 : i32
        %dma_wait3A_60 = tpu.memref_slice %arg2[%dma_wait3A_58, %dma_wait3A_59] : memref<20224x128xf32, #tpu.memory_space<hbm>> -> memref<20224x128xf32, #tpu.memory_space<hbm>>
        tpu.wait_indirect_dma semaphore(%arg13 : memref<!tpu.dma_semaphore, #tpu.memory_space<semaphore_mem>>) src(%dma_wait3A_60 : memref<20224x128xf32, #tpu.memory_space<hbm>>) dst(%arg11 : memref<128x128xf32, #tpu.memory_space<vmem>>)
        %add3A_61 = arith.constant 1 : i32
        %add3A_62 = arith.addi %mul3A_35, %add3A_61 : i32
        "tpu.region"() ({
          %run_scoped3A = tpu.sem_alloc : memref<!tpu.dma_semaphore, #tpu.memory_space<semaphore_mem>>
          %dma_start3A_63 = arith.constant 0 : i32
          %dma_start3A_64 = tpu.memref_slice %arg9[%add3A_62, %dma_start3A_63] : memref<32x128xi32, #tpu.memory_space<vmem>> -> memref<1x128xi32, #tpu.memory_space<vmem>>
          %dma_start3A_65 = tpu.memref_squeeze %dma_start3A_64 : memref<1x128xi32, #tpu.memory_space<vmem>> -> memref<128xi32, #tpu.memory_space<vmem>>
          %dma_start3A_66 = arith.constant 0 : i32
          %dma_start3A_67 = arith.constant 0 : i32
          %dma_start3A_68 = tpu.memref_slice %arg7[%dma_start3A_66, %dma_start3A_67] : memref<10112x128xf32, #tpu.memory_space<vmem_shared>> -> memref<10112x128xf32, #tpu.memory_space<vmem_shared>>
          tpu.enqueue_indirect_dma source(%arg11 : memref<128x128xf32, #tpu.memory_space<vmem>>) target(%dma_start3A_68 : memref<10112x128xf32, #tpu.memory_space<vmem_shared>>) offsets(%dma_start3A_65 : memref<128xi32, #tpu.memory_space<vmem>>) semaphore(%run_scoped3A : memref<!tpu.dma_semaphore, #tpu.memory_space<semaphore_mem>>) {add = true}
          %dma_wait3A_69 = arith.constant 0 : i32
          %dma_wait3A_70 = tpu.memref_slice %arg9[%add3A_62, %dma_wait3A_69] : memref<32x128xi32, #tpu.memory_space<vmem>> -> memref<1x128xi32, #tpu.memory_space<vmem>>
          %dma_wait3A_71 = tpu.memref_squeeze %dma_wait3A_70 : memref<1x128xi32, #tpu.memory_space<vmem>> -> memref<128xi32, #tpu.memory_space<vmem>>
          %dma_wait3A_72 = arith.constant 0 : i32
          %dma_wait3A_73 = arith.constant 0 : i32
          %dma_wait3A_74 = tpu.memref_slice %arg7[%dma_wait3A_72, %dma_wait3A_73] : memref<10112x128xf32, #tpu.memory_space<vmem_shared>> -> memref<10112x128xf32, #tpu.memory_space<vmem_shared>>
          tpu.wait_indirect_dma semaphore(%run_scoped3A : memref<!tpu.dma_semaphore, #tpu.memory_space<semaphore_mem>>) src(%arg11 : memref<128x128xf32, #tpu.memory_space<vmem>>) dst(%dma_wait3A_74 : memref<10112x128xf32, #tpu.memory_space<vmem_shared>>)
          tpu.yield
        }) : () -> ()
      }
      %scan3A_28 = arith.constant 16 : i32
    }
    %scan3A_6 = arith.constant 5 : i32
    %barrier3A_7 = arith.constant 0 : index
    tpu.barrier barrier_id(%barrier3A_7)
    "tpu.region"() ({
      %run_scoped3A = tpu.sem_alloc : memref<!tpu.dma_semaphore, #tpu.memory_space<semaphore_mem>>
      %dma_start3A = arith.constant 0 : i32
      %dma_start3A_8 = tpu.memref_slice %arg6[%arg0, %mul3A_0, %dma_start3A] : memref<2x10112x128xf32, #tpu.memory_space<hbm>> -> memref<1x632x128xf32, #tpu.memory_space<hbm>>
      %dma_start3A_9 = tpu.memref_squeeze %dma_start3A_8 : memref<1x632x128xf32, #tpu.memory_space<hbm>> -> memref<632x128xf32, #tpu.memory_space<hbm>>
      %dma_start3A_10 = arith.constant 0 : i32
      %dma_start3A_11 = tpu.memref_slice %arg7[%mul3A_0, %dma_start3A_10] : memref<10112x128xf32, #tpu.memory_space<vmem_shared>> -> memref<632x128xf32, #tpu.memory_space<vmem_shared>>
      tpu.enqueue_dma source(%dma_start3A_11 : memref<632x128xf32, #tpu.memory_space<vmem_shared>>) target(%dma_start3A_9 : memref<632x128xf32, #tpu.memory_space<hbm>>) target_semaphore(%run_scoped3A : memref<!tpu.dma_semaphore, #tpu.memory_space<semaphore_mem>>)
      %dma_wait3A = arith.constant 0 : i32
      %dma_wait3A_12 = tpu.memref_slice %arg6[%arg0, %mul3A_0, %dma_wait3A] : memref<2x10112x128xf32, #tpu.memory_space<hbm>> -> memref<1x632x128xf32, #tpu.memory_space<hbm>>
      %dma_wait3A_13 = tpu.memref_squeeze %dma_wait3A_12 : memref<1x632x128xf32, #tpu.memory_space<hbm>> -> memref<632x128xf32, #tpu.memory_space<hbm>>
      %dma_wait3A_14 = arith.constant 0 : i32
      %dma_wait3A_15 = tpu.memref_slice %arg7[%mul3A_0, %dma_wait3A_14] : memref<10112x128xf32, #tpu.memory_space<vmem_shared>> -> memref<632x128xf32, #tpu.memory_space<vmem_shared>>
      tpu.wait_dma2 semaphore(%run_scoped3A : memref<!tpu.dma_semaphore, #tpu.memory_space<semaphore_mem>>) src(%dma_wait3A_15 : memref<632x128xf32, #tpu.memory_space<vmem_shared>>) dst(%dma_wait3A_13 : memref<632x128xf32, #tpu.memory_space<hbm>>)
      tpu.yield
    }) : () -> ()
    return
  }
}

#map = affine_map<(d0, d1) -> (0, 0)>
#map1 = affine_map<(d0, d1) -> (0, 0, 0)>
module attributes {stable_mosaic.version = 14 : i64} {
  func.func @k(%arg0: i32, %arg1: i32, %arg2: memref<2560x128xi32, #tpu.memory_space<hbm>>, %arg3: memref<10112x128xf32, #tpu.memory_space<hbm>>, %arg4: memref<128x128xf32, #tpu.memory_space<hbm>>, %arg5: memref<2x10112x128xf32, #tpu.memory_space<hbm>>, %arg6: memref<10112x128xf32, #tpu.memory_space<vmem_shared>>, %arg7: memref<16x128xi32, #tpu.memory_space<vmem>>, %arg8: memref<128x128xf32, #tpu.memory_space<vmem>>, %arg9: memref<!tpu.dma_semaphore, #tpu.memory_space<semaphore_mem>>) attributes {dimension_semantics = [#tpu.dimension_semantics<core_parallel>, #tpu.dimension_semantics<subcore_parallel>], iteration_bounds = array<i64: 2, 16>, scalar_prefetch = 0 : i64, scratch_operands = 4 : i64, tpu.core_type = #tpu.core_type<sc_vector_subcore>, window_params = [{transform_indices = #map}, {transform_indices = #map}, {transform_indices = #map}, {transform_indices = #map1}]} {
    %mul3A = arith.constant 632 : i32
    %mul3A_0 = arith.muli %arg1, %mul3A : i32
    "tpu.region"() ({
      %run_scoped3A = tpu.sem_alloc : memref<!tpu.dma_semaphore, #tpu.memory_space<semaphore_mem>>
      %dma_start3A = arith.constant 0 : i32
      %dma_start3A_10 = tpu.memref_slice %arg6[%mul3A_0, %dma_start3A] : memref<10112x128xf32, #tpu.memory_space<vmem_shared>> -> memref<632x128xf32, #tpu.memory_space<vmem_shared>>
      %dma_start3A_11 = arith.constant 0 : i32
      %dma_start3A_12 = tpu.memref_slice %arg3[%mul3A_0, %dma_start3A_11] : memref<10112x128xf32, #tpu.memory_space<hbm>> -> memref<632x128xf32, #tpu.memory_space<hbm>>
      tpu.enqueue_dma source(%dma_start3A_12 : memref<632x128xf32, #tpu.memory_space<hbm>>) target(%dma_start3A_10 : memref<632x128xf32, #tpu.memory_space<vmem_shared>>) target_semaphore(%run_scoped3A : memref<!tpu.dma_semaphore, #tpu.memory_space<semaphore_mem>>)
      %dma_wait3A = arith.constant 0 : i32
      %dma_wait3A_13 = tpu.memref_slice %arg6[%mul3A_0, %dma_wait3A] : memref<10112x128xf32, #tpu.memory_space<vmem_shared>> -> memref<632x128xf32, #tpu.memory_space<vmem_shared>>
      %dma_wait3A_14 = arith.constant 0 : i32
      %dma_wait3A_15 = tpu.memref_slice %arg3[%mul3A_0, %dma_wait3A_14] : memref<10112x128xf32, #tpu.memory_space<hbm>> -> memref<632x128xf32, #tpu.memory_space<hbm>>
      tpu.wait_dma2 semaphore(%run_scoped3A : memref<!tpu.dma_semaphore, #tpu.memory_space<semaphore_mem>>) src(%dma_wait3A_15 : memref<632x128xf32, #tpu.memory_space<hbm>>) dst(%dma_wait3A_13 : memref<632x128xf32, #tpu.memory_space<vmem_shared>>)
      tpu.yield
    }) : () -> ()
    "tpu.region"() ({
      %run_scoped3A = tpu.sem_alloc : memref<!tpu.dma_semaphore, #tpu.memory_space<semaphore_mem>>
      tpu.enqueue_dma source(%arg4 : memref<128x128xf32, #tpu.memory_space<hbm>>) target(%arg8 : memref<128x128xf32, #tpu.memory_space<vmem>>) target_semaphore(%run_scoped3A : memref<!tpu.dma_semaphore, #tpu.memory_space<semaphore_mem>>)
      tpu.wait_dma2 semaphore(%run_scoped3A : memref<!tpu.dma_semaphore, #tpu.memory_space<semaphore_mem>>) src(%arg4 : memref<128x128xf32, #tpu.memory_space<hbm>>) dst(%arg8 : memref<128x128xf32, #tpu.memory_space<vmem>>)
      tpu.yield
    }) : () -> ()
    %mul3A_1 = arith.constant 16 : i32
    %mul3A_2 = arith.muli %arg0, %mul3A_1 : i32
    %add3A = arith.addi %mul3A_2, %arg1 : i32
    %mul3A_3 = arith.constant 80 : i32
    %mul3A_4 = arith.muli %add3A, %mul3A_3 : i32
    %barrier3A = arith.constant 0 : index
    tpu.barrier barrier_id(%barrier3A)
    %scan3A = arith.constant 0 : i32
    %scan3A_5 = arith.constant 5 : i32
    %scan3A_6 = arith.addi %scan3A, %scan3A_5 : i32
    %scan3A_7 = arith.constant 1 : i32
    scf.for %scan3A_10 = %scan3A to %scan3A_6 step %scan3A_7  : i32 {
      %mul3A_11 = arith.constant 1 : i32
      %mul3A_12 = arith.muli %scan3A_10, %mul3A_11 : i32
      %add3A_13 = arith.constant 0 : i32
      %add3A_14 = arith.addi %add3A_13, %mul3A_12 : i32
      %mul3A_15 = arith.constant 16 : i32
      %mul3A_16 = arith.muli %add3A_14, %mul3A_15 : i32
      %add3A_17 = arith.addi %mul3A_4, %mul3A_16 : i32
      "tpu.region"() ({
        %run_scoped3A = tpu.sem_alloc : memref<!tpu.dma_semaphore, #tpu.memory_space<semaphore_mem>>
        %dma_start3A = arith.constant 0 : i32
        %dma_start3A_28 = tpu.memref_slice %arg2[%add3A_17, %dma_start3A] : memref<2560x128xi32, #tpu.memory_space<hbm>> -> memref<16x128xi32, #tpu.memory_space<hbm>>
        %dma_start3A_29 = arith.constant 0 : i32
        %dma_start3A_30 = tpu.memref_slice %arg2[%add3A_17, %dma_start3A_29] : memref<2560x128xi32, #tpu.memory_space<hbm>> -> memref<16x128xi32, #tpu.memory_space<hbm>>
        tpu.enqueue_dma source(%dma_start3A_30 : memref<16x128xi32, #tpu.memory_space<hbm>>) target(%arg7 : memref<16x128xi32, #tpu.memory_space<vmem>>) target_semaphore(%run_scoped3A : memref<!tpu.dma_semaphore, #tpu.memory_space<semaphore_mem>>)
        %dma_wait3A = arith.constant 0 : i32
        %dma_wait3A_31 = tpu.memref_slice %arg2[%add3A_17, %dma_wait3A] : memref<2560x128xi32, #tpu.memory_space<hbm>> -> memref<16x128xi32, #tpu.memory_space<hbm>>
        %dma_wait3A_32 = arith.constant 0 : i32
        %dma_wait3A_33 = tpu.memref_slice %arg2[%add3A_17, %dma_wait3A_32] : memref<2560x128xi32, #tpu.memory_space<hbm>> -> memref<16x128xi32, #tpu.memory_space<hbm>>
        tpu.wait_dma2 semaphore(%run_scoped3A : memref<!tpu.dma_semaphore, #tpu.memory_space<semaphore_mem>>) src(%dma_wait3A_33 : memref<16x128xi32, #tpu.memory_space<hbm>>) dst(%arg7 : memref<16x128xi32, #tpu.memory_space<vmem>>)
        tpu.yield
      }) : () -> ()
      %scan3A_18 = arith.constant 0 : i32
      %scan3A_19 = arith.constant 16 : i32
      %scan3A_20 = arith.addi %scan3A_18, %scan3A_19 : i32
      %scan3A_21 = arith.constant 1 : i32
      scf.for %scan3A_28 = %scan3A_18 to %scan3A_20 step %scan3A_21  : i32 {
        %mul3A_29 = arith.constant 1 : i32
        %mul3A_30 = arith.muli %scan3A_28, %mul3A_29 : i32
        %add3A_31 = arith.constant 0 : i32
        %add3A_32 = arith.addi %add3A_31, %mul3A_30 : i32
        %dma_start3A = arith.constant 0 : i32
        %dma_start3A_33 = tpu.memref_slice %arg7[%add3A_32, %dma_start3A] : memref<16x128xi32, #tpu.memory_space<vmem>> -> memref<1x128xi32, #tpu.memory_space<vmem>>
        %dma_start3A_34 = tpu.memref_squeeze %dma_start3A_33 : memref<1x128xi32, #tpu.memory_space<vmem>> -> memref<128xi32, #tpu.memory_space<vmem>>
        %dma_start3A_35 = arith.constant 0 : i32
        %dma_start3A_36 = arith.constant 0 : i32
        %dma_start3A_37 = tpu.memref_slice %arg6[%dma_start3A_35, %dma_start3A_36] : memref<10112x128xf32, #tpu.memory_space<vmem_shared>> -> memref<10112x128xf32, #tpu.memory_space<vmem_shared>>
        tpu.enqueue_indirect_dma source(%arg8 : memref<128x128xf32, #tpu.memory_space<vmem>>) target(%dma_start3A_37 : memref<10112x128xf32, #tpu.memory_space<vmem_shared>>) offsets(%dma_start3A_34 : memref<128xi32, #tpu.memory_space<vmem>>) semaphore(%arg9 : memref<!tpu.dma_semaphore, #tpu.memory_space<semaphore_mem>>) {add = true}
      }
      %scan3A_22 = arith.constant 16 : i32
      %scan3A_23 = arith.constant 0 : i32
      %scan3A_24 = arith.constant 16 : i32
      %scan3A_25 = arith.addi %scan3A_23, %scan3A_24 : i32
      %scan3A_26 = arith.constant 1 : i32
      scf.for %scan3A_28 = %scan3A_23 to %scan3A_25 step %scan3A_26  : i32 {
        %mul3A_29 = arith.constant 1 : i32
        %mul3A_30 = arith.muli %scan3A_28, %mul3A_29 : i32
        %add3A_31 = arith.constant 0 : i32
        %add3A_32 = arith.addi %add3A_31, %mul3A_30 : i32
        %dma_wait3A = arith.constant 0 : i32
        %dma_wait3A_33 = arith.constant 0 : i32
        %dma_wait3A_34 = tpu.memref_slice %arg7[%dma_wait3A, %dma_wait3A_33] : memref<16x128xi32, #tpu.memory_space<vmem>> -> memref<1x128xi32, #tpu.memory_space<vmem>>
        %dma_wait3A_35 = tpu.memref_squeeze %dma_wait3A_34 : memref<1x128xi32, #tpu.memory_space<vmem>> -> memref<128xi32, #tpu.memory_space<vmem>>
        %dma_wait3A_36 = arith.constant 0 : i32
        %dma_wait3A_37 = arith.constant 0 : i32
        %dma_wait3A_38 = tpu.memref_slice %arg6[%dma_wait3A_36, %dma_wait3A_37] : memref<10112x128xf32, #tpu.memory_space<vmem_shared>> -> memref<10112x128xf32, #tpu.memory_space<vmem_shared>>
        tpu.wait_indirect_dma semaphore(%arg9 : memref<!tpu.dma_semaphore, #tpu.memory_space<semaphore_mem>>) src(%arg8 : memref<128x128xf32, #tpu.memory_space<vmem>>) dst(%dma_wait3A_38 : memref<10112x128xf32, #tpu.memory_space<vmem_shared>>)
      }
      %scan3A_27 = arith.constant 16 : i32
    }
    %scan3A_8 = arith.constant 5 : i32
    %barrier3A_9 = arith.constant 0 : index
    tpu.barrier barrier_id(%barrier3A_9)
    "tpu.region"() ({
      %run_scoped3A = tpu.sem_alloc : memref<!tpu.dma_semaphore, #tpu.memory_space<semaphore_mem>>
      %dma_start3A = arith.constant 0 : i32
      %dma_start3A_10 = tpu.memref_slice %arg5[%arg0, %mul3A_0, %dma_start3A] : memref<2x10112x128xf32, #tpu.memory_space<hbm>> -> memref<1x632x128xf32, #tpu.memory_space<hbm>>
      %dma_start3A_11 = tpu.memref_squeeze %dma_start3A_10 : memref<1x632x128xf32, #tpu.memory_space<hbm>> -> memref<632x128xf32, #tpu.memory_space<hbm>>
      %dma_start3A_12 = arith.constant 0 : i32
      %dma_start3A_13 = tpu.memref_slice %arg6[%mul3A_0, %dma_start3A_12] : memref<10112x128xf32, #tpu.memory_space<vmem_shared>> -> memref<632x128xf32, #tpu.memory_space<vmem_shared>>
      tpu.enqueue_dma source(%dma_start3A_13 : memref<632x128xf32, #tpu.memory_space<vmem_shared>>) target(%dma_start3A_11 : memref<632x128xf32, #tpu.memory_space<hbm>>) target_semaphore(%run_scoped3A : memref<!tpu.dma_semaphore, #tpu.memory_space<semaphore_mem>>)
      %dma_wait3A = arith.constant 0 : i32
      %dma_wait3A_14 = tpu.memref_slice %arg5[%arg0, %mul3A_0, %dma_wait3A] : memref<2x10112x128xf32, #tpu.memory_space<hbm>> -> memref<1x632x128xf32, #tpu.memory_space<hbm>>
      %dma_wait3A_15 = tpu.memref_squeeze %dma_wait3A_14 : memref<1x632x128xf32, #tpu.memory_space<hbm>> -> memref<632x128xf32, #tpu.memory_space<hbm>>
      %dma_wait3A_16 = arith.constant 0 : i32
      %dma_wait3A_17 = tpu.memref_slice %arg6[%mul3A_0, %dma_wait3A_16] : memref<10112x128xf32, #tpu.memory_space<vmem_shared>> -> memref<632x128xf32, #tpu.memory_space<vmem_shared>>
      tpu.wait_dma2 semaphore(%run_scoped3A : memref<!tpu.dma_semaphore, #tpu.memory_space<semaphore_mem>>) src(%dma_wait3A_17 : memref<632x128xf32, #tpu.memory_space<vmem_shared>>) dst(%dma_wait3A_15 : memref<632x128xf32, #tpu.memory_space<hbm>>)
      tpu.yield
    }) : () -> ()
    return
  }
}

module attributes {stable_mosaic.version = 14 : i64} {
  func.func @body(%arg0: i32, %arg1: memref<2x256x128xf32, #tpu.memory_space<vmem>>, %arg2: memref<2x256x128xf32, #tpu.memory_space<vmem>>, %arg3: memref<2x256x128xf32, #tpu.memory_space<vmem>>, %arg4: memref<1x256xf32, #tpu.memory_space<vmem>>, %arg5: memref<256x128xf32, #tpu.memory_space<vmem>>, %arg6: memref<256x128xf32, #tpu.memory_space<vmem>>) attributes {dimension_semantics = [#tpu.dimension_semantics<arbitrary>], iteration_bounds = array<i64: 40>, scalar_prefetch = 0 : i64, scratch_operands = 0 : i64, tpu.core_type = #tpu.core_type<tc>, window_params = [{transform_indices = @transform_0, window_bounds = array<i64: 2, 256, 128>}, {transform_indices = @transform_1, window_bounds = array<i64: 2, 256, 128>}, {transform_indices = @transform_2, window_bounds = array<i64: 2, 256, 128>}, {pipeline_mode = #tpu.pipeline_mode<synchronous>, transform_indices = @transform_3, window_bounds = array<i64: 1, 256>}, {pipeline_mode = #tpu.pipeline_mode<synchronous>, transform_indices = @transform_4, window_bounds = array<i64: 256, 128>}, {transform_indices = @transform_5, window_bounds = array<i64: 256, 128>}]} {
    %get3A = arith.constant 0 : index
    %get3A_0 = arith.constant 0 : index
    %get3A_1 = arith.constant 0 : index
    %get3A_2 = vector.load %arg3[%get3A, %get3A_0, %get3A_1] : memref<2x256x128xf32, #tpu.memory_space<vmem>>, vector<1x256x1xf32>
    %get3A_3 = vector.shape_cast %get3A_2 : vector<1x256x1xf32> to vector<256xf32>
    %get3A_4 = arith.constant 1 : index
    %get3A_5 = arith.constant 0 : index
    %get3A_6 = arith.constant 0 : index
    %get3A_7 = vector.load %arg3[%get3A_4, %get3A_5, %get3A_6] : memref<2x256x128xf32, #tpu.memory_space<vmem>>, vector<1x256x1xf32>
    %get3A_8 = vector.shape_cast %get3A_7 : vector<1x256x1xf32> to vector<256xf32>
    %add3A = arith.addf %get3A_3, %get3A_8 : vector<256xf32>
    %add3A_9 = arith.constant 1.000000e+00 : f32
    %add3A_10 = vector.broadcast %add3A_9 : f32 to vector<256xf32>
    %add3A_11 = arith.addf %add3A, %add3A_10 : vector<256xf32>
    %rsqrt3A = math.rsqrt %add3A_11 : vector<256xf32>
    %broadcast_in_dim3A = vector.shape_cast %rsqrt3A : vector<256xf32> to vector<256x1xf32>
    %get3A_12 = arith.constant 0 : index
    %get3A_13 = arith.constant 0 : index
    %get3A_14 = arith.constant 0 : index
    %get3A_15 = vector.load %arg1[%get3A_12, %get3A_13, %get3A_14] : memref<2x256x128xf32, #tpu.memory_space<vmem>>, vector<1x256x128xf32>
    %get3A_16 = vector.shape_cast %get3A_15 : vector<1x256x128xf32> to vector<256x128xf32>
    %get3A_17 = arith.constant 0 : index
    %get3A_18 = arith.constant 0 : index
    %get3A_19 = arith.constant 0 : index
    %get3A_20 = vector.load %arg2[%get3A_17, %get3A_18, %get3A_19] : memref<2x256x128xf32, #tpu.memory_space<vmem>>, vector<1x256x128xf32>
    %get3A_21 = vector.shape_cast %get3A_20 : vector<1x256x128xf32> to vector<256x128xf32>
    %add3A_22 = arith.addf %get3A_16, %get3A_21 : vector<256x128xf32>
    %mul3A = vector.broadcast %broadcast_in_dim3A : vector<256x1xf32> to vector<256x128xf32>
    %mul3A_23 = arith.mulf %add3A_22, %mul3A : vector<256x128xf32>
    %get3A_24 = arith.constant 0 : index
    %get3A_25 = arith.constant 0 : index
    %get3A_26 = vector.load %arg4[%get3A_24, %get3A_25] : memref<1x256xf32, #tpu.memory_space<vmem>>, vector<1x128xf32>
    %get3A_27 = vector.shape_cast %get3A_26 : vector<1x128xf32> to vector<128xf32>
    %broadcast_in_dim3A_28 = vector.shape_cast %get3A_27 : vector<128xf32> to vector<1x128xf32>
    %add3A_29 = vector.broadcast %broadcast_in_dim3A_28 : vector<1x128xf32> to vector<256x128xf32>
    %add3A_30 = arith.addf %mul3A_23, %add3A_29 : vector<256x128xf32>
    %get3A_31 = arith.constant 1 : index
    %get3A_32 = arith.constant 0 : index
    %get3A_33 = arith.constant 0 : index
    %get3A_34 = vector.load %arg1[%get3A_31, %get3A_32, %get3A_33] : memref<2x256x128xf32, #tpu.memory_space<vmem>>, vector<1x256x128xf32>
    %get3A_35 = vector.shape_cast %get3A_34 : vector<1x256x128xf32> to vector<256x128xf32>
    %get3A_36 = arith.constant 1 : index
    %get3A_37 = arith.constant 0 : index
    %get3A_38 = arith.constant 0 : index
    %get3A_39 = vector.load %arg2[%get3A_36, %get3A_37, %get3A_38] : memref<2x256x128xf32, #tpu.memory_space<vmem>>, vector<1x256x128xf32>
    %get3A_40 = vector.shape_cast %get3A_39 : vector<1x256x128xf32> to vector<256x128xf32>
    %add3A_41 = arith.addf %get3A_35, %get3A_40 : vector<256x128xf32>
    %mul3A_42 = vector.broadcast %broadcast_in_dim3A : vector<256x1xf32> to vector<256x128xf32>
    %mul3A_43 = arith.mulf %add3A_41, %mul3A_42 : vector<256x128xf32>
    %get3A_44 = arith.constant 0 : index
    %get3A_45 = arith.constant 128 : index
    %get3A_46 = vector.load %arg4[%get3A_44, %get3A_45] : memref<1x256xf32, #tpu.memory_space<vmem>>, vector<1x128xf32>
    %get3A_47 = vector.shape_cast %get3A_46 : vector<1x128xf32> to vector<128xf32>
    %broadcast_in_dim3A_48 = vector.shape_cast %get3A_47 : vector<128xf32> to vector<1x128xf32>
    %add3A_49 = vector.broadcast %broadcast_in_dim3A_48 : vector<1x128xf32> to vector<256x128xf32>
    %add3A_50 = arith.addf %mul3A_43, %add3A_49 : vector<256x128xf32>
    %concatenate3A = tpu.concatenate %add3A_30, %add3A_50 in 1 : vector<256x128xf32>, vector<256x128xf32> -> vector<256x256xf32>
    %max3A = arith.constant 0.000000e+00 : f32
    %max3A_51 = vector.broadcast %max3A : f32 to vector<256x256xf32>
    %max3A_52 = arith.maximumf %concatenate3A, %max3A_51 : vector<256x256xf32>
    %get3A_53 = arith.constant 0 : index
    %get3A_54 = arith.constant 0 : index
    %get3A_55 = vector.load %arg5[%get3A_53, %get3A_54] : memref<256x128xf32, #tpu.memory_space<vmem>>, vector<256x128xf32>
    %dot_general3A = arith.constant dense<0.000000e+00> : vector<256x128xf32>
    %dot_general3A_56 = tpu.matmul %max3A_52, %get3A_55, %dot_general3A {dimension_numbers = #tpu.dot_dimension_numbers<[1], [0], [0], [1], [0, 0, 1, 1], [], []>, precision = #tpu.contract_precision<fp32>, transpose_lhs_hint = false} : vector<256x256xf32>, vector<256x128xf32>, vector<256x128xf32> -> vector<256x128xf32>
    %mul3A_57 = vector.broadcast %broadcast_in_dim3A : vector<256x1xf32> to vector<256x128xf32>
    %mul3A_58 = arith.mulf %dot_general3A_56, %mul3A_57 : vector<256x128xf32>
    %swap3A = arith.constant 0 : index
    %swap3A_59 = arith.constant 0 : index
    %swap3A_60 = vector.load %arg6[%swap3A, %swap3A_59] : memref<256x128xf32, #tpu.memory_space<vmem>>, vector<256x128xf32>
    tpu.vector_store %arg6[%swap3A, %swap3A_59], %mul3A_58 {strides = array<i32>} : memref<256x128xf32, #tpu.memory_space<vmem>>, vector<256x128xf32>,
    return
  }
  func.func @transform_0(%arg0: i32) -> (i32, i32, i32) {
    %c0_i32 = arith.constant 0 : i32
    %c0_i32_0 = arith.constant 0 : i32
    %c0_i32_1 = arith.constant 0 : i32
    return %c0_i32, %arg0, %c0_i32_0 : i32, i32, i32
  }
  func.func @transform_1(%arg0: i32) -> (i32, i32, i32) {
    %c0_i32 = arith.constant 0 : i32
    %c0_i32_0 = arith.constant 0 : i32
    %c0_i32_1 = arith.constant 0 : i32
    return %c0_i32, %arg0, %c0_i32_0 : i32, i32, i32
  }
  func.func @transform_2(%arg0: i32) -> (i32, i32, i32) {
    %c0_i32 = arith.constant 0 : i32
    %c0_i32_0 = arith.constant 0 : i32
    %c0_i32_1 = arith.constant 0 : i32
    return %c0_i32, %arg0, %c0_i32_0 : i32, i32, i32
  }
  func.func @transform_3(%arg0: i32) -> (i32, i32) {
    %c0_i32 = arith.constant 0 : i32
    %c0_i32_0 = arith.constant 0 : i32
    %c0_i32_1 = arith.constant 0 : i32
    return %c0_i32, %c0_i32_0 : i32, i32
  }
  func.func @transform_4(%arg0: i32) -> (i32, i32) {
    %c0_i32 = arith.constant 0 : i32
    %c0_i32_0 = arith.constant 0 : i32
    %c0_i32_1 = arith.constant 0 : i32
    return %c0_i32, %c0_i32_0 : i32, i32
  }
  func.func @transform_5(%arg0: i32) -> (i32, i32) {
    %c0_i32 = arith.constant 0 : i32
    %c0_i32_0 = arith.constant 0 : i32
    return %arg0, %c0_i32 : i32, i32
  }
}

module attributes {stable_mosaic.version = 14 : i64} {
  func.func @body(%arg0: i32, %arg1: i32, %arg2: memref<256x128xf32, #tpu.memory_space<vmem>>, %arg3: memref<256x128xf32, #tpu.memory_space<vmem>>, %arg4: memref<256x128xf32, #tpu.memory_space<vmem>>, %arg5: memref<384x128xf32, #tpu.memory_space<vmem>>, %arg6: memref<2x256x128xf32, #tpu.memory_space<vmem>>, %arg7: memref<1x256x128xf32, #tpu.memory_space<vmem>>) attributes {dimension_semantics = [#tpu.dimension_semantics<arbitrary>, #tpu.dimension_semantics<arbitrary>], iteration_bounds = array<i64: 40, 2>, scalar_prefetch = 0 : i64, scratch_operands = 0 : i64, tpu.core_type = #tpu.core_type<tc>, window_params = [{transform_indices = @transform_0, window_bounds = array<i64: 256, 128>}, {transform_indices = @transform_1, window_bounds = array<i64: 256, 128>}, {transform_indices = @transform_2, window_bounds = array<i64: 256, 128>}, {transform_indices = @transform_3, window_bounds = array<i64: 384, 128>}, {transform_indices = @transform_4, window_bounds = array<i64: 2, 256, 128>}, {transform_indices = @transform_5, window_bounds = array<i64: 1, 256, 128>}]} {
    %get3A = arith.constant 0 : index
    %get3A_0 = arith.constant 0 : index
    %get3A_1 = vector.load %arg2[%get3A, %get3A_0] : memref<256x128xf32, #tpu.memory_space<vmem>>, vector<256x128xf32>
    %get3A_2 = arith.constant 0 : index
    %get3A_3 = arith.constant 0 : index
    %get3A_4 = vector.load %arg5[%get3A_2, %get3A_3] : memref<384x128xf32, #tpu.memory_space<vmem>>, vector<128x128xf32>
    %dot_general3A = arith.constant dense<0.000000e+00> : vector<256x128xf32>
    %dot_general3A_5 = tpu.matmul %get3A_1, %get3A_4, %dot_general3A {dimension_numbers = #tpu.dot_dimension_numbers<[1], [0], [0], [1], [0, 0, 1, 1], [], []>, precision = #tpu.contract_precision<fp32>, transpose_lhs_hint = false} : vector<256x128xf32>, vector<128x128xf32>, vector<256x128xf32> -> vector<256x128xf32>
    %get3A_6 = arith.constant 0 : index
    %get3A_7 = arith.constant 0 : index
    %get3A_8 = vector.load %arg3[%get3A_6, %get3A_7] : memref<256x128xf32, #tpu.memory_space<vmem>>, vector<256x128xf32>
    %get3A_9 = arith.constant 128 : index
    %get3A_10 = arith.constant 0 : index
    %get3A_11 = vector.load %arg5[%get3A_9, %get3A_10] : memref<384x128xf32, #tpu.memory_space<vmem>>, vector<128x128xf32>
    %dot_general3A_12 = arith.constant dense<0.000000e+00> : vector<256x128xf32>
    %dot_general3A_13 = tpu.matmul %get3A_8, %get3A_11, %dot_general3A_12 {dimension_numbers = #tpu.dot_dimension_numbers<[1], [0], [0], [1], [0, 0, 1, 1], [], []>, precision = #tpu.contract_precision<fp32>, transpose_lhs_hint = false} : vector<256x128xf32>, vector<128x128xf32>, vector<256x128xf32> -> vector<256x128xf32>
    %add3A = arith.addf %dot_general3A_5, %dot_general3A_13 : vector<256x128xf32>
    %get3A_14 = arith.constant 0 : index
    %get3A_15 = arith.constant 0 : index
    %get3A_16 = vector.load %arg4[%get3A_14, %get3A_15] : memref<256x128xf32, #tpu.memory_space<vmem>>, vector<256x128xf32>
    %get3A_17 = arith.constant 256 : index
    %get3A_18 = arith.constant 0 : index
    %get3A_19 = vector.load %arg5[%get3A_17, %get3A_18] : memref<384x128xf32, #tpu.memory_space<vmem>>, vector<128x128xf32>
    %dot_general3A_20 = arith.constant dense<0.000000e+00> : vector<256x128xf32>
    %dot_general3A_21 = tpu.matmul %get3A_16, %get3A_19, %dot_general3A_20 {dimension_numbers = #tpu.dot_dimension_numbers<[1], [0], [0], [1], [0, 0, 1, 1], [], []>, precision = #tpu.contract_precision<fp32>, transpose_lhs_hint = false} : vector<256x128xf32>, vector<128x128xf32>, vector<256x128xf32> -> vector<256x128xf32>
    %add3A_22 = arith.addf %add3A, %dot_general3A_21 : vector<256x128xf32>
    %get3A_23 = arith.constant 0 : index
    %get3A_24 = arith.constant 0 : index
    %get3A_25 = arith.constant 0 : index
    %get3A_26 = vector.load %arg6[%get3A_23, %get3A_24, %get3A_25] : memref<2x256x128xf32, #tpu.memory_space<vmem>>, vector<1x256x1xf32>
    %get3A_27 = vector.shape_cast %get3A_26 : vector<1x256x1xf32> to vector<256xf32>
    %get3A_28 = arith.constant 1 : index
    %get3A_29 = arith.constant 0 : index
    %get3A_30 = arith.constant 0 : index
    %get3A_31 = vector.load %arg6[%get3A_28, %get3A_29, %get3A_30] : memref<2x256x128xf32, #tpu.memory_space<vmem>>, vector<1x256x1xf32>
    %get3A_32 = vector.shape_cast %get3A_31 : vector<1x256x1xf32> to vector<256xf32>
    %add3A_33 = arith.addf %get3A_27, %get3A_32 : vector<256xf32>
    %add3A_34 = arith.constant 1.000000e+00 : f32
    %add3A_35 = vector.broadcast %add3A_34 : f32 to vector<256xf32>
    %add3A_36 = arith.addf %add3A_33, %add3A_35 : vector<256xf32>
    %rsqrt3A = math.rsqrt %add3A_36 : vector<256xf32>
    %broadcast_in_dim3A = vector.shape_cast %rsqrt3A : vector<256xf32> to vector<256x1xf32>
    %mul3A = vector.broadcast %broadcast_in_dim3A : vector<256x1xf32> to vector<256x128xf32>
    %mul3A_37 = arith.mulf %add3A_22, %mul3A : vector<256x128xf32>
    %reshape3A = vector.shape_cast %mul3A_37 : vector<256x128xf32> to vector<1x256x128xf32>
    %swap3A = arith.constant 0 : index
    %swap3A_38 = arith.constant 0 : index
    %swap3A_39 = arith.constant 0 : index
    %swap3A_40 = vector.load %arg7[%swap3A, %swap3A_38, %swap3A_39] : memref<1x256x128xf32, #tpu.memory_space<vmem>>, vector<1x256x128xf32>
    tpu.vector_store %arg7[%swap3A, %swap3A_38, %swap3A_39], %reshape3A {strides = array<i32>} : memref<1x256x128xf32, #tpu.memory_space<vmem>>, vector<1x256x128xf32>,
    return
  }
  func.func @transform_0(%arg0: i32, %arg1: i32) -> (i32, i32) {
    %c0_i32 = arith.constant 0 : i32
    %c0_i32_0 = arith.constant 0 : i32
    return %arg0, %c0_i32 : i32, i32
  }
  func.func @transform_1(%arg0: i32, %arg1: i32) -> (i32, i32) {
    %c0_i32 = arith.constant 0 : i32
    %c0_i32_0 = arith.constant 0 : i32
    return %arg0, %c0_i32 : i32, i32
  }
  func.func @transform_2(%arg0: i32, %arg1: i32) -> (i32, i32) {
    %c0_i32 = arith.constant 0 : i32
    %c0_i32_0 = arith.constant 0 : i32
    return %arg0, %c0_i32 : i32, i32
  }
  func.func @transform_3(%arg0: i32, %arg1: i32) -> (i32, i32) {
    %c0_i32 = arith.constant 0 : i32
    %c0_i32_0 = arith.constant 0 : i32
    return %c0_i32, %arg1 : i32, i32
  }
  func.func @transform_4(%arg0: i32, %arg1: i32) -> (i32, i32, i32) {
    %c0_i32 = arith.constant 0 : i32
    %c0_i32_0 = arith.constant 0 : i32
    %c0_i32_1 = arith.constant 0 : i32
    return %c0_i32, %arg0, %c0_i32_0 : i32, i32, i32
  }
  func.func @transform_5(%arg0: i32, %arg1: i32) -> (i32, i32, i32) {
    %c0_i32 = arith.constant 0 : i32
    %c0_i32_0 = arith.constant 0 : i32
    return %arg1, %arg0, %c0_i32 : i32, i32, i32
  }
}

module attributes {stable_mosaic.version = 14 : i64} {
  func.func @body(%arg0: i32, %arg1: memref<256x128xf32, #tpu.memory_space<vmem>>, %arg2: memref<2x256x128xf32, #tpu.memory_space<vmem>>, %arg3: memref<2x256x128xf32, #tpu.memory_space<vmem>>, %arg4: memref<1x128xf32, #tpu.memory_space<vmem>>, %arg5: memref<128x128xf32, #tpu.memory_space<vmem>>, %arg6: memref<256x128xf32, #tpu.memory_space<vmem>>) attributes {dimension_semantics = [#tpu.dimension_semantics<arbitrary>], iteration_bounds = array<i64: 40>, scalar_prefetch = 0 : i64, scratch_operands = 0 : i64, tpu.core_type = #tpu.core_type<tc>, window_params = [{transform_indices = @transform_0, window_bounds = array<i64: 256, 128>}, {transform_indices = @transform_1, window_bounds = array<i64: 2, 256, 128>}, {transform_indices = @transform_2, window_bounds = array<i64: 2, 256, 128>}, {pipeline_mode = #tpu.pipeline_mode<synchronous>, transform_indices = @transform_3, window_bounds = array<i64: 1, 128>}, {pipeline_mode = #tpu.pipeline_mode<synchronous>, transform_indices = @transform_4, window_bounds = array<i64: 128, 128>}, {transform_indices = @transform_5, window_bounds = array<i64: 256, 128>}]} {
    %get3A = arith.constant 0 : index
    %get3A_0 = arith.constant 0 : index
    %get3A_1 = arith.constant 0 : index
    %get3A_2 = vector.load %arg3[%get3A, %get3A_0, %get3A_1] : memref<2x256x128xf32, #tpu.memory_space<vmem>>, vector<1x256x1xf32>
    %get3A_3 = vector.shape_cast %get3A_2 : vector<1x256x1xf32> to vector<256xf32>
    %get3A_4 = arith.constant 1 : index
    %get3A_5 = arith.constant 0 : index
    %get3A_6 = arith.constant 0 : index
    %get3A_7 = vector.load %arg3[%get3A_4, %get3A_5, %get3A_6] : memref<2x256x128xf32, #tpu.memory_space<vmem>>, vector<1x256x1xf32>
    %get3A_8 = vector.shape_cast %get3A_7 : vector<1x256x1xf32> to vector<256xf32>
    %add3A = arith.addf %get3A_3, %get3A_8 : vector<256xf32>
    %add3A_9 = arith.constant 1.000000e+00 : f32
    %add3A_10 = vector.broadcast %add3A_9 : f32 to vector<256xf32>
    %add3A_11 = arith.addf %add3A, %add3A_10 : vector<256xf32>
    %rsqrt3A = math.rsqrt %add3A_11 : vector<256xf32>
    %broadcast_in_dim3A = vector.shape_cast %rsqrt3A : vector<256xf32> to vector<256x1xf32>
    %get3A_12 = arith.constant 0 : index
    %get3A_13 = arith.constant 0 : index
    %get3A_14 = vector.load %arg1[%get3A_12, %get3A_13] : memref<256x128xf32, #tpu.memory_space<vmem>>, vector<256x128xf32>
    %get3A_15 = arith.constant 0 : index
    %get3A_16 = arith.constant 0 : index
    %get3A_17 = arith.constant 0 : index
    %get3A_18 = vector.load %arg2[%get3A_15, %get3A_16, %get3A_17] : memref<2x256x128xf32, #tpu.memory_space<vmem>>, vector<1x256x128xf32>
    %get3A_19 = vector.shape_cast %get3A_18 : vector<1x256x128xf32> to vector<256x128xf32>
    %add3A_20 = arith.addf %get3A_14, %get3A_19 : vector<256x128xf32>
    %get3A_21 = arith.constant 1 : index
    %get3A_22 = arith.constant 0 : index
    %get3A_23 = arith.constant 0 : index
    %get3A_24 = vector.load %arg2[%get3A_21, %get3A_22, %get3A_23] : memref<2x256x128xf32, #tpu.memory_space<vmem>>, vector<1x256x128xf32>
    %get3A_25 = vector.shape_cast %get3A_24 : vector<1x256x128xf32> to vector<256x128xf32>
    %add3A_26 = arith.addf %add3A_20, %get3A_25 : vector<256x128xf32>
    %mul3A = vector.broadcast %broadcast_in_dim3A : vector<256x1xf32> to vector<256x128xf32>
    %mul3A_27 = arith.mulf %add3A_26, %mul3A : vector<256x128xf32>
    %get3A_28 = arith.constant 0 : index
    %get3A_29 = arith.constant 0 : index
    %get3A_30 = vector.load %arg4[%get3A_28, %get3A_29] : memref<1x128xf32, #tpu.memory_space<vmem>>, vector<1x128xf32>
    %get3A_31 = vector.shape_cast %get3A_30 : vector<1x128xf32> to vector<128xf32>
    %broadcast_in_dim3A_32 = vector.shape_cast %get3A_31 : vector<128xf32> to vector<1x128xf32>
    %add3A_33 = vector.broadcast %broadcast_in_dim3A_32 : vector<1x128xf32> to vector<256x128xf32>
    %add3A_34 = arith.addf %mul3A_27, %add3A_33 : vector<256x128xf32>
    %get3A_35 = arith.constant 0 : index
    %get3A_36 = arith.constant 0 : index
    %get3A_37 = vector.load %arg5[%get3A_35, %get3A_36] : memref<128x128xf32, #tpu.memory_space<vmem>>, vector<128x128xf32>
    %mul3A_38 = arith.mulf %add3A_34, %add3A_34 : vector<256x128xf32>
    %reduce_sum3A = arith.constant dense<0.000000e+00> : vector<256xf32>
    %reduce_sum3A_39 = vector.multi_reduction <add>, %mul3A_38, %reduce_sum3A [1] : vector<256x128xf32> to vector<256xf32>
    %broadcast_in_dim3A_40 = vector.shape_cast %reduce_sum3A_39 : vector<256xf32> to vector<256x1xf32>
    %sqrt3A = math.sqrt %broadcast_in_dim3A_40 : vector<256x1xf32>
    %mul3A_41 = arith.mulf %get3A_37, %get3A_37 : vector<128x128xf32>
    %reduce_sum3A_42 = arith.constant dense<0.000000e+00> : vector<128xf32>
    %reduce_sum3A_43 = vector.multi_reduction <add>, %mul3A_41, %reduce_sum3A_42 [1] : vector<128x128xf32> to vector<128xf32>
    %sqrt3A_44 = math.sqrt %reduce_sum3A_43 : vector<128xf32>
    %dot_general3A = arith.constant dense<0.000000e+00> : vector<256x128xf32>
    %dot_general3A_45 = tpu.matmul %add3A_34, %get3A_37, %dot_general3A {dimension_numbers = #tpu.dot_dimension_numbers<[1], [1], [0], [0], [0, 0, 1, 0], [], []>, precision = #tpu.contract_precision<fp32>, transpose_lhs_hint = false} : vector<256x128xf32>, vector<128x128xf32>, vector<256x128xf32> -> vector<256x128xf32>
    %broadcast_in_dim3A_46 = vector.shape_cast %sqrt3A_44 : vector<128xf32> to vector<1x128xf32>
    %mul3A_47 = vector.broadcast %sqrt3A : vector<256x1xf32> to vector<256x128xf32>
    %mul3A_48 = vector.broadcast %broadcast_in_dim3A_46 : vector<1x128xf32> to vector<256x128xf32>
    %mul3A_49 = arith.mulf %mul3A_47, %mul3A_48 : vector<256x128xf32>
    %max3A = arith.constant 9.99999993E-9 : f32
    %max3A_50 = vector.broadcast %max3A : f32 to vector<256x128xf32>
    %max3A_51 = arith.maximumf %mul3A_49, %max3A_50 : vector<256x128xf32>
    %div3A = arith.divf %dot_general3A_45, %max3A_51 : vector<256x128xf32>
    %swap3A = arith.constant 0 : index
    %swap3A_52 = arith.constant 0 : index
    %swap3A_53 = vector.load %arg6[%swap3A, %swap3A_52] : memref<256x128xf32, #tpu.memory_space<vmem>>, vector<256x128xf32>
    tpu.vector_store %arg6[%swap3A, %swap3A_52], %div3A {strides = array<i32>} : memref<256x128xf32, #tpu.memory_space<vmem>>, vector<256x128xf32>,
    return
  }
  func.func @transform_0(%arg0: i32) -> (i32, i32) {
    %c0_i32 = arith.constant 0 : i32
    %c0_i32_0 = arith.constant 0 : i32
    return %arg0, %c0_i32 : i32, i32
  }
  func.func @transform_1(%arg0: i32) -> (i32, i32, i32) {
    %c0_i32 = arith.constant 0 : i32
    %c0_i32_0 = arith.constant 0 : i32
    %c0_i32_1 = arith.constant 0 : i32
    return %c0_i32, %arg0, %c0_i32_0 : i32, i32, i32
  }
  func.func @transform_2(%arg0: i32) -> (i32, i32, i32) {
    %c0_i32 = arith.constant 0 : i32
    %c0_i32_0 = arith.constant 0 : i32
    %c0_i32_1 = arith.constant 0 : i32
    return %c0_i32, %arg0, %c0_i32_0 : i32, i32, i32
  }
  func.func @transform_3(%arg0: i32) -> (i32, i32) {
    %c0_i32 = arith.constant 0 : i32
    %c0_i32_0 = arith.constant 0 : i32
    %c0_i32_1 = arith.constant 0 : i32
    return %c0_i32, %c0_i32_0 : i32, i32
  }
  func.func @transform_4(%arg0: i32) -> (i32, i32) {
    %c0_i32 = arith.constant 0 : i32
    %c0_i32_0 = arith.constant 0 : i32
    %c0_i32_1 = arith.constant 0 : i32
    return %c0_i32, %c0_i32_0 : i32, i32
  }
  func.func @transform_5(%arg0: i32) -> (i32, i32) {
    %c0_i32 = arith.constant 0 : i32
    %c0_i32_0 = arith.constant 0 : i32
    return %arg0, %c0_i32 : i32, i32
  }
}

</mosaic_0001>

<sc_bundles>
// kernel: kernel.11.cloned.1.call-start
scs
__scs_entry_jumppad:
0x0: {  	(pc) =	sbr.rel $0x88, $3  }
0x1: {  	(tag) =	ssettag $0x0;
	lr =	simm.s32 $0x1  }
0x2: {  	[smem:$0x3F98] =	sst lr;
	_ =	strace $0xD0000000  }
0x3: {  	_ = 	snop  }
0x4: {  	_ = 	snop  }
0x5: {  	_ = 	snop  }
0x6: {  	_ = 	snop  }
0x7: {  	_ = 	snop  }
__scs_overlays_trampoline_lowered:
0x8: {  	[smem:$0x3FA7] =	sst s0  }
0x9: {  	[smem:$0x3FA8] =	sst s1  }
0xa: {  	[smem:$0x3FA9] =	sst s2  }
0xb: {  	[smem:$0x3FAA] =	sst s3  }
0xc: {  	[smem:$0x3FAB] =	sst s4  }
0xd: {  	[smem:$0x3FAC] =	sst s5  }
0xe: {  	[smem:$0x3FAD] =	sst s6  }
0xf: {  	[smem:$0x3FAE] =	sst s7  }
0x10: {  	[smem:$0x3FAF] =	sst s8  }
0x11: {  	[smem:$0x3FB0] =	sst s9;
	s0 =	simm.s32 @!p0 $0x0  }
0x12: {  	s1 =	sld [smem:$0x3F96];
	s0 =	simm.s32 @p0 $0x1  }
0x13: {  	[smem:$0x3FB1] =	sst s0;
	s0 =	simm.s32 @!p1 $0x0  }
0x14: {  	s2 =	sld [smem:$0x3F95];
	s0 =	simm.s32 @p1 $0x1  }
0x15: {  	[smem:$0x3FB2] =	sst s0;
	s0 =	simm.s32 @!p2 $0x0  }
0x16: {  	s3 =	sld [smem:$0x3FDB];
	s0 =	simm.s32 @p2 $0x1  }
0x17: {  	s4 =	simm.s32 $0x1BF5;
	[smem:$0x3FB4] =	sst s0  }
0x18: {  	s0 =	sld [smem:$0x3F97];
	_ =	swait.ge [sflag:s4], $0x0  }
0x19: {  	s7 =	sld [smem:$0x3F98]  }
0x1a: {  	s8 =	sadd.s32 $0xFFFFE003, lr  }
0x1b: {  	s9 =	sadd.s32 $0xFFFFFEF7, lr;
	s5 =	simm.s32 $0xFFFFFFFF;
	p2 =	slt.u32 s8, $0xFFFFF086  }
0x1c: {  	p1 =	slt.u32 s9, $0xF7A;
	s5 =	simm.s32 @!p2 $0x0  }
0x1d: {  	s5 =	simm.s32 @p1 $0x1;
	p0 =	seq.s32 s7, s2  }
0x1e: {  	s7 =	smul.u32 @!p0 $0xF7A, s2;
	p2 =	seq.s32 @!p0 s5, $0x0  }
0x1f: {  	s9 =	smul.u32 $0xF7A, s1;
	s8 =	simm.s32 @!p0 $0x1BF5;
	p2 =	por !p2, p0  }
0x20: {  	[sflag:s8] =	ssyncset.s32 @!p0 $0xFFFFF086;
	s6 =	sadd.s32 @!p0 s3, s7;
	s7 =	simm.s32 @!p0 $0x108  }
0x21: {  	s3 =	sadd.s32 s3, s9;
	s6 =	sadd.s32 @!p0 $0x88, s6;
	s7 =	simm.s32 @p2 $0x1082  }
0x22: {  	[simem:s7], [sflag:s8] =	dma.local @!p0 [hbm:s6], $0xF7A  }
0x23: {  	s9 =	sor.u32 $0xD0000000, s2;
	s6 =	simm.s32 $0x108;
	_ =	swait.ge @!p0 [sflag:s8], $0x0  }
0x24: {  	s3 =	sadd.s32 $0x88, s3;
	s6 =	simm.s32 @!p1 $0x1082;
	[sflag:s4] =	ssyncset.s32 $0xFFFFF086  }
0x25: {  	[simem:s6], [sflag:s4] =	dma.local [hbm:s3], $0xF7A  }
0x26: {  	[smem:$0x3F98] =	sst s1;
	(tag) =	ssettag s2;
	_ =	strace s9  }
0x27: {  	s1 =	sld [smem:$0x3FA8]  }
0x28: {  	s2 =	sld [smem:$0x3FA9]  }
0x29: {  	s4 =	sld [smem:$0x3FAB]  }
0x2a: {  	p0 =	seq.s32 s5, $0x0;
	s5 =	sld [smem:$0x3FAC]  }
0x2b: {  	s6 =	sld [smem:$0x3FAD]  }
0x2c: {  	s7 =	sld [smem:$0x3FAE]  }
0x2d: {  	s3 =	simm.s32 $0x108;
	s8 =	sld [smem:$0x3FAF]  }
0x2e: {  	s3 =	simm.s32 @!p0 $0x1082;
	s9 =	sld [smem:$0x3FB0]  }
0x2f: {  	lr =	sadd.s32 s0, s3;
	s0 =	sld [smem:$0x3FA7]  }
0x30: {  	s3 =	sld [smem:$0x3FAA]  }
0x31: {  	[smem:$0x3FB3] =	sst s10  }
0x32: {  	s10 =	sld [smem:$0x3FB1];
	_ =	sdelay $0x3  }
0x33: {  	p0 =	seq.s32 s10, $0x1;
	s10 =	sld [smem:$0x3FB3];
	_ =	sdelay $0x3  }
0x34: {  	[smem:$0x3FB3] =	sst s10  }
0x35: {  	s10 =	sld [smem:$0x3FB2];
	_ =	sdelay $0x3  }
0x36: {  	p1 =	seq.s32 s10, $0x1;
	s10 =	sld [smem:$0x3FB3];
	_ =	sdelay $0x3  }
0x37: {  	[smem:$0x3FB3] =	sst s10  }
0x38: {  	s10 =	sld [smem:$0x3FB4]  }
0x39: {  	_ = 	snop;
	(pc) =	sbr.ind lr, $3  }
0x3a: {  	_ = 	snop  }
0x3b: {  	_ = 	snop  }
0x3c: {  	p2 =	seq.s32 s10, $0x1;
	s10 =	sld [smem:$0x3FB3]  }
0x3d: {  	_ =	shalt  }
0x3e: {  	_ =	shalt  }
0x3f: {  	_ =	shalt  }
0x40: {  	_ =	shalt  }
0x41: {  	_ =	shalt  }
0x42: {  	_ =	shalt  }
0x43: {  	_ =	shalt  }
0x44: {  	_ =	shalt  }
0x45: {  	_ =	shalt  }
0x46: {  	_ =	shalt  }
0x47: {  	_ =	shalt  }
0x48: {  	_ =	shalt  }
0x49: {  	_ =	shalt  }
0x4a: {  	_ =	shalt  }
0x4b: {  	_ =	shalt  }
0x4c: {  	_ =	shalt  }
0x4d: {  	_ =	shalt  }
0x4e: {  	_ =	shalt  }
0x4f: {  	_ =	shalt  }
0x50: {  	_ =	shalt  }
0x51: {  	_ =	shalt  }
0x52: {  	_ =	shalt  }
0x53: {  	_ =	shalt  }
0x54: {  	_ =	shalt  }
0x55: {  	_ =	shalt  }
0x56: {  	_ =	shalt  }
0x57: {  	_ =	shalt  }
0x58: {  	_ =	shalt  }
0x59: {  	_ =	shalt  }
0x5a: {  	_ =	shalt  }
0x5b: {  	_ =	shalt  }
0x5c: {  	_ =	shalt  }
0x5d: {  	_ =	shalt  }
0x5e: {  	_ =	shalt  }
0x5f: {  	_ =	shalt  }
0x60: {  	_ =	shalt  }
0x61: {  	_ =	shalt  }
0x62: {  	_ =	shalt  }
0x63: {  	_ =	shalt  }
0x64: {  	_ =	shalt  }
0x65: {  	_ =	shalt  }
0x66: {  	_ =	shalt  }
0x67: {  	_ =	shalt  }
0x68: {  	_ =	shalt  }
0x69: {  	_ =	shalt  }
0x6a: {  	_ =	shalt  }
0x6b: {  	_ =	shalt  }
0x6c: {  	_ =	shalt  }
0x6d: {  	_ =	shalt  }
0x6e: {  	_ =	shalt  }
0x6f: {  	_ =	shalt  }
0x70: {  	_ =	shalt  }
0x71: {  	_ =	shalt  }
0x72: {  	_ =	shalt  }
0x73: {  	_ =	shalt  }
0x74: {  	_ =	shalt  }
0x75: {  	_ =	shalt  }
0x76: {  	_ =	shalt  }
0x77: {  	_ =	shalt  }
0x78: {  	_ =	shalt  }
0x79: {  	_ =	shalt  }
0x7a: {  	_ =	shalt  }
0x7b: {  	_ =	shalt  }
0x7c: {  	_ =	shalt  }
0x7d: {  	_ =	shalt  }
0x7e: {  	_ =	shalt  }
0x7f: {  	_ =	shalt  }
0x80: {  	_ =	shalt  }
0x81: {  	_ =	shalt  }
0x82: {  	_ =	shalt  }
0x83: {  	_ =	shalt  }
0x84: {  	_ =	shalt  }
0x85: {  	_ =	shalt  }
0x86: {  	_ =	shalt  }
0x87: {  	_ =	shalt  }
.Lfunc_end0:
.L_simem_size_0:
called_computation.1_lowered:
.L_overlay_start_0:
0x88: {  	s2 =	sld [smem:$0x3FD9]  }
0x89: {  	s3 =	sld [smem:$0x3FFE];
	_ =	sdelay $0x1  }
0x8a: {  	s1 =	srdreg.scid  }
0x8b: {  	s0 =	sand.u32 $0x1, s1  }
0x8c: {  	s17 =	sshll.u32 s0, $0xA;
	s2 =	sadd.s32 s3, s2  }
0x8d: {  	s2 =	sadd.s32 s2, s17  }
0x8e: {  	[smem:$0x3FBF] =	sst s2  }
0x8f: {  	_ = 	snop  }
0x90: {  	s2 =	sld [smem:$0x3FD0];
	(tm) =	ssettm $0x1  }
0x91: {  	s18 =	sld [smem:$0x3FFB];
	_ =	sdelay $0x3  }
0x92: {  	_ =	strace s18  }
0x93: {  	s3 =	sld [smem:$0x3FFC];
	_ =	sdelay $0x3  }
0x94: {  	_ =	strace s3  }
0x95: {  	s3 =	sld [smem:$0x3FFD];
	_ =	sdelay $0x3  }
0x96: {  	_ =	strace s3  }
0x97: {  	_ =	strace $0x8FFFFFFF  }
0x98: {  	s19 =	sld [smem:$0x3FDB];
	_ =	sdelay $0x1  }
0x99: {  	s4 =	simm.s32 $_scs_section_size  }
0x9a: {  	s5 =	simm.s32 $_size__tile_overlayer_lowered;
	s6 =	simm.s32 $_tile_overlayer_lowered  }
0x9b: {  	s22 =	simm.s32 $0x1BFF;
	s21 =	sshll.u32 s6, $0x1;
	s3 =	sadd.s32 s4, s19  }
0x9c: {  	s7 =	simm.s32 $0x0;
	s20 =	sshll.u32 s5, $0x1;
	s5 =	sadd.s32 s21, s3  }
0x9d: {  	[timem:s7], [sflag:s22] =	dma.local [hbm:s5], s20  }
0x9e: {  	_ =	swait.ge [sflag:s22], s20  }
0x9f: {  	s4 =	ssub.s32 $0x0, s20;
	[sflag:s22] =	ssyncset.done $0x0  }
0xa0: {  	[sflag:s22] =	ssyncadd.s32 s4;
	_ =	sdelay $0x1  }
0xa1: {  	s23 =	simm.s32 $0x1B8B  }
0xa2: {  	_ =	swait.ge [sflag:s23], $0x1  }
0xa3: {  	[sflag:s23] =	ssyncset.done $0x0  }
0xa4: {  	s25 =	simm.s32 $0x1B8E;
	s24 =	sld [smem:$0x3FFE];
	[sflag:s23] =	ssyncadd.s32 $0xFFFFFFFF  }
0xa5: {  	s26 =	simm.s32 $execute0_lowered;
	[smem:$0x3FD2] =	sst s25  }
0xa6: {  	s5 =	sshll.u32 s26, $0x1;
	_ =	strace $0x80000049;
	[dreg:$0x1] =	wrdreg $0xFFFFFFFF  }
0xa7: {  	s28 =	simm.s32 $_size_execute0_lowered;
	s3 =	sadd.s32 s3, s5;
	[dreg:$0x0] =	wrdreg $0x0  }
0xa8: {  	s5 =	sshll.u32 s28, $0x1;
	[dreg:$0x2] =	wrdreg s3  }
0xa9: {  	[dreg:$0x3] =	wrdreg s5  }
0xaa: {  	[dreg:$0x4] =	wrdreg $0xC0  }
0xab: {  	_ =	task [dreg:s7], $0x5FFFF  }
0xac: {  	[dreg:$0x1] =	wrdreg $0xFFFFFFFF  }
0xad: {  	[dreg:$0x0] =	wrdreg $0x60  }
0xae: {  	[dreg:$0x2] =	wrdreg s24  }
0xaf: {  	[dreg:$0x3] =	wrdreg s2  }
0xb0: {  	[dreg:$0x4] =	wrdreg $0x0  }
0xb1: {  	[dreg:$0x5] =	wrdreg $0x9  }
0xb2: {  	_ =	task.clear_ibuf [dreg:s7], $0x6FFFF;
	_ =	strace $0x90000049  }
0xb3: {  	s29 =	simm.s32 $0x9;
	_ =	strace $0x8000004B  }
0xb4: {  	_ =	swait.ge [sflag:s29], $0x1  }
0xb5: {  	[sflag:s29] =	ssyncadd.s32 $0xFFFFFFFF  }
0xb6: {  	_ =	strace $0x9000004B  }
0xb7: {  	_ =	sfence  }
0xb8: {  	s30 =	sld [smem:$0x0];
	_ =	sdelay $0x2  }
0xb9: {  	s31 =	sshll.u32 s1, $0xD;
	s1 =	sshrl.u32 s1, $0x2  }
0xba: {  	s3 =	sand.u32 $0x4000, s31;
	s1 =	sadd.s32 s1, s30  }
0xbb: {  	s0 =	sor.u32 s3, s0;
	s1 =	sshll.u32 s1, $0x11  }
0xbc: {  	s0 =	sor.u32 s1, s0  }
0xbd: {  	s0 =	sadd.s32 $0x8F2B, s0  }
0xbe: {  	[sflag:s0] =	ssyncadd.remote.s32 $0x1  }
0xbf: {  	_ =	sfence.sel $0xFFFF  }
0xc0: {  	[dreg:$0x0] =	wrdreg $0xFFFFFFFF;
	(pc) =	sbr.abs _section_cstart, $3  }
0xc1: {  	[dreg:$0x1] =	wrdreg $0xFFFFFFFF  }
0xc2: {  	_ =	task.clear_ibuf [dreg:s7], $0x2FFFF;
	_ =	strace $0x9FFFFFFF  }
0xc3: {  	(tm) =	ssettm $0x7FFFFFFF  }
tec
execute0_lowered:
.L_overlay_start_1:
0x0: {  	(tag) =	ssettag $0x1  }
0x1: {  	s7 =	rddreg [dreg:$0x0]  }
0x2: {  	s2 =	rddreg [dreg:$0x1]  }
0x3: {  	s3 =	rddreg [dreg:$0x2]  }
0x4: {  	s0 =	rddreg [dreg:$0x3];
	s1 =	stileid.u32  }
0x5: {  	s5 =	srdreg.scid;
	s4 =	simm.s32 $0x0;
	s15 =	simm.s32 $0x13C00  }
0x6: {  	s16 =	simm.s32 $0x14C00;
	s17 =	simm.s32 $0x80;
	s18 =	simm.s32 $0x15C00  }
0x7: {  	s19 =	simm.s32 $0x19C00;
	s20 =	simm.s32 $0x1;
	s21 =	simm.s32 $0x2  }
0x8: {  	s22 =	simm.s32 $0x14B80;
	s23 =	simm.s32 $0x15B00;
	s24 =	simm.s32 $0x15B80  }
0x9: {  	s8 =	smul.u32 $0x13C00, s1;
	s10 =	sand.u32 $0x1, s5;
	[smem:$0x7FF] =	sst s4  }
0xa: {  	s5 =	sadd.s32 $0x8F000, s7;
	s6 =	sadd.s32 $0xE000, s7;
	s28 =	smul.u32 $0x4F000, s1  }
0xb: {  	s31 =	sshll.u32 s1, $0x6;
	s9 =	smul.u32 $0x13C000, s10;
	_ =	strace $0x8000004A  }
0xc: {  	s12 =	ssub.s32 $0x2, s10;
	s10 =	smul.u32 $0x50000, s10;
	s11 =	sshrl.u32 s8, $0x3  }
0xd: {  	s29 =	sshrl.u32 s12, $0x1;
	s30 =	sshrl.u32 s28, $0x2;
	s8 =	sadd.s32 s8, s9  }
0xe: {  	s11 =	sadd.s32 s11, s7;
	s12 =	ssub.s32 s12, s29;
	s14 =	sadd.s32 s30, s3  }
0xf: {  	s9 =	smul.u32 $0x5000, s1;
	s8 =	sshrl.u32 s8, $0x3;
	s12 =	smax.u32 s12, $0x1  }
0x10: {  	s13 =	sadd.s32 s8, s7;
	s7 =	sadd.s32 $0x18000, s11;
	s8 =	sor.u32 $0x1C03, s31  }
0x11: {  	s11 =	sadd.s32 $0xDE000, s13;
	s13 =	sshrl.u32 s14, $0x3;
	s14 =	simm.s32 $0x3  }
.LBB2_1:
0x12: {  	[spmem:s13], [sflag:s8] =	dma.local [hbm:s7], $0x2780  }
0x13: {  	_ =	swait.ge [sflag:s14], $0x2780  }
0x14: {  	[sflag:s14] =	ssyncset.done $0x0  }
0x15: {  	[sflag:s14] =	ssyncadd.s32 $0xFFFFD880  }
0x16: {  	s25 =	simm.s32 $0x0;
	[bflag:$0x0] =	sbarrier.arrive $0xFFFF  }
.LBB2_2:
0x17: {  	s26 =	sshll.u32 s25, $0xC  }
0x18: {  	s26 =	sadd.s32 s9, s26  }
0x19: {  	s28 =	sadd.s32 s10, s26  }
0x1a: {  	s28 =	sshrl.u32 s28, $0x3  }
0x1b: {  	s29 =	simm.s32 $0x0;
	s28 =	sadd.s32 s2, s28  }
0x1c: {  	[tilespmem:s15], [sflag:$0x3] =	stream.linear.gather [hbm4b:s28+s29], $0x1000, $0x38;
	[tilespmem:$0x1DC00] =	vst v63  }
0x1d: {  	_ =	swait.ge [sflag:s14], $0x1000  }
0x1e: {  	s26 =	sshrl.u32 s26, $0x3;
	[sflag:s14] =	ssyncset.done $0x0  }
0x1f: {  	s26 =	sadd.s32 s6, s26;
	[sflag:s14] =	ssyncadd.s32 $0xFFFFF000  }
0x20: {  	[tilespmem:s16], [sflag:$0x3] =	stream.linear.gather [hbm4b:s26+s29], $0x1000, $0x38;
	[tilespmem:$0x1DC00] =	vst v63  }
0x21: {  	_ =	swait.ge [sflag:s14], $0x1000  }
0x22: {  	[sflag:s14] =	ssyncset.done $0x0  }
0x23: {  	[sflag:s14] =	ssyncadd.s32 $0xFFFFF000  }
0x24: {  	[tilespmem:s18], [sflag:$0x1] =	stream.indirect.gather [hbm4b:s5+s17], $0x80, s15, s17, $0xb8;
	[tilespmem:$0x1DC00] =	vst v63  }
0x25: {  	s31 =	simm.s32 $0x13C80  }
0x26: {  	[tilespmem:s19], [sflag:$0x2] =	stream.indirect.gather [hbm4b:s5+s17], $0x80, s31, s17, $0xb8;
	[tilespmem:$0x1DC00] =	vst v63  }
0x27: {  	_ =	swait.ge [sflag:s20], $0x4000  }
0x28: {  	[sflag:s20] =	ssyncset.done $0x0  }
0x29: {  	s29 =	simm.s32 $0x14C00;
	[sflag:s20] =	ssyncadd.s32 $0xFFFFC000  }
0x2a: {  	[spmem:s3] =	stream.indirect.scatter.add.f32 [tilespmem:s18], [sflag:$0x3], $0x80, s29, s17, $0xb8;
	[tilespmem:$0x1DC00] =	vst v63  }
0x2b: {  	_ =	swait.ge [sflag:s14], $0x4000  }
0x2c: {  	[sflag:s14] =	ssyncset.done $0x0  }
0x2d: {  	s30 =	simm.s32 $0x13D00;
	[sflag:s14] =	ssyncadd.s32 $0xFFFFC000  }
0x2e: {  	[tilespmem:s18], [sflag:$0x1] =	stream.indirect.gather [hbm4b:s5+s17], $0x80, s30, s17, $0xb8;
	[tilespmem:$0x1DC00] =	vst v63  }
0x2f: {  	_ =	swait.ge [sflag:s21], $0x4000  }
0x30: {  	[sflag:s21] =	ssyncset.done $0x0  }
0x31: {  	s31 =	simm.s32 $0x14C80;
	[sflag:s21] =	ssyncadd.s32 $0xFFFFC000  }
0x32: {  	[spmem:s3] =	stream.indirect.scatter.add.f32 [tilespmem:s19], [sflag:$0x3], $0x80, s31, s17, $0xb8;
	[tilespmem:$0x1DC00] =	vst v63  }
0x33: {  	_ =	swait.ge [sflag:s14], $0x4000  }
0x34: {  	s28 =	simm.s32 $0x800;
	s26 =	simm.s32 $0x100;
	[sflag:s14] =	ssyncset.done $0x0  }
.LBB2_3:
0x35: {  	s29 =	sadd.s32 $0x13C80, s26  }
0x36: {  	[sflag:s14] =	ssyncadd.s32 $0xFFFFC000;
	s30 =	smov.u32 s28;
	s31 =	sadd.s32 $0x400, s28  }
0x37: {  	[tilespmem:s19], [sflag:$0x2] =	stream.indirect.gather [hbm4b:s5+s17], $0x80, s29, s17, $0xb8;
	[tilespmem:$0x1DC00] =	vst v63  }
0x38: {  	p0 =	sne.s32 s28, $0x3800;
	_ =	swait.ge [sflag:s20], $0x4000  }
0x39: {  	[sflag:s20] =	ssyncset.done $0x0  }
0x3a: {  	s28 =	sadd.s32 $0x14C00, s26;
	[sflag:s20] =	ssyncadd.s32 $0xFFFFC000  }
0x3b: {  	[spmem:s3] =	stream.indirect.scatter.add.f32 [tilespmem:s18], [sflag:$0x3], $0x80, s28, s17, $0xb8;
	[tilespmem:$0x1DC00] =	vst v63  }
0x3c: {  	_ =	swait.ge [sflag:s14], $0x4000  }
0x3d: {  	[sflag:s14] =	ssyncset.done $0x0  }
0x3e: {  	s28 =	sadd.s32 $0x13D00, s26;
	[sflag:s14] =	ssyncadd.s32 $0xFFFFC000  }
0x3f: {  	[tilespmem:s18], [sflag:$0x1] =	stream.indirect.gather [hbm4b:s5+s17], $0x80, s28, s17, $0xb8;
	[tilespmem:$0x1DC00] =	vst v63  }
0x40: {  	_ =	swait.ge [sflag:s21], $0x4000  }
.Ltmp0:
0x41: {  	[sflag:s21] =	ssyncset.done $0x0;
	(pc) =	sbr.rel @p0 .LBB2_3-.Ltmp0, $4  }
0x42: {  	s26 =	sadd.s32 $0x14C80, s26;
	[sflag:s21] =	ssyncadd.s32 $0xFFFFC000  }
0x43: {  	[spmem:s3] =	stream.indirect.scatter.add.f32 [tilespmem:s19], [sflag:$0x3], $0x80, s26, s17, $0xb8;
	[tilespmem:$0x1DC00] =	vst v63  }
0x44: {  	_ =	swait.ge [sflag:s14], $0x4000  }
0x45: {  	s28 =	smov.u32 s31;
	s26 =	sshra.s32 s30, $0x2;
	[sflag:s14] =	ssyncset.done $0x0  }
0x46: {  	s28 =	sadd.s32 $0x13C80, s26;
	[sflag:s14] =	ssyncadd.s32 $0xFFFFC000  }
0x47: {  	[tilespmem:s19], [sflag:$0x2] =	stream.indirect.gather [hbm4b:s5+s17], $0x80, s28, s17, $0xb8;
	[tilespmem:$0x1DC00] =	vst v63  }
0x48: {  	_ =	swait.ge [sflag:s20], $0x4000  }
0x49: {  	[sflag:s20] =	ssyncset.done $0x0  }
0x4a: {  	s29 =	sadd.s32 $0x14C00, s26;
	[sflag:s20] =	ssyncadd.s32 $0xFFFFC000  }
0x4b: {  	[spmem:s3] =	stream.indirect.scatter.add.f32 [tilespmem:s18], [sflag:$0x3], $0x80, s29, s17, $0xb8;
	[tilespmem:$0x1DC00] =	vst v63  }
0x4c: {  	_ =	swait.ge [sflag:s14], $0x4000  }
0x4d: {  	[sflag:s14] =	ssyncset.done $0x0  }
0x4e: {  	s30 =	sadd.s32 $0x13D00, s26;
	[sflag:s14] =	ssyncadd.s32 $0xFFFFC000  }
0x4f: {  	[tilespmem:s18], [sflag:$0x1] =	stream.indirect.gather [hbm4b:s5+s17], $0x80, s30, s17, $0xb8;
	[tilespmem:$0x1DC00] =	vst v63  }
0x50: {  	_ =	swait.ge [sflag:s21], $0x4000  }
0x51: {  	[sflag:s21] =	ssyncset.done $0x0  }
0x52: {  	s31 =	sadd.s32 $0x14C80, s26;
	[sflag:s21] =	ssyncadd.s32 $0xFFFFC000  }
0x53: {  	[spmem:s3] =	stream.indirect.scatter.add.f32 [tilespmem:s19], [sflag:$0x3], $0x80, s31, s17, $0xb8;
	[tilespmem:$0x1DC00] =	vst v63  }
0x54: {  	_ =	swait.ge [sflag:s14], $0x4000  }
0x55: {  	[sflag:s14] =	ssyncset.done $0x0  }
0x56: {  	[sflag:s14] =	ssyncadd.s32 $0xFFFFC000  }
0x57: {  	[tilespmem:s19], [sflag:$0x2] =	stream.indirect.gather [hbm4b:s5+s17], $0x80, s22, s17, $0xb8;
	[tilespmem:$0x1DC00] =	vst v63  }
0x58: {  	_ =	swait.ge [sflag:s20], $0x4000  }
0x59: {  	[sflag:s20] =	ssyncset.done $0x0  }
0x5a: {  	[sflag:s20] =	ssyncadd.s32 $0xFFFFC000  }
0x5b: {  	[spmem:s3] =	stream.indirect.scatter.add.f32 [tilespmem:s18], [sflag:$0x3], $0x80, s23, s17, $0xb8;
	[tilespmem:$0x1DC00] =	vst v63  }
0x5c: {  	_ =	swait.ge [sflag:s14], $0x4000  }
0x5d: {  	[sflag:s14] =	ssyncset.done $0x0  }
0x5e: {  	[sflag:s14] =	ssyncadd.s32 $0xFFFFC000  }
0x5f: {  	s25 =	sadd.s32 $0x1, s25;
	_ =	swait.ge [sflag:s21], $0x4000  }
0x60: {  	p0 =	sne.s32 s25, $0x5;
	[sflag:s21] =	ssyncset.done $0x0  }
.Ltmp1:
0x61: {  	[sflag:s21] =	ssyncadd.s32 $0xFFFFC000;
	(pc) =	sbr.rel @p0 .LBB2_2-.Ltmp1, $4  }
0x62: {  	[spmem:s3] =	stream.indirect.scatter.add.f32 [tilespmem:s19], [sflag:$0x3], $0x80, s24, s17, $0xb8;
	[tilespmem:$0x1DC00] =	vst v63  }
0x63: {  	_ =	swait.ge [sflag:s14], $0x4000  }
0x64: {  	[sflag:s14] =	ssyncset.done $0x0  }
0x65: {  	[sflag:s14] =	ssyncadd.s32 $0xFFFFC000  }
0x66: {  	s4 =	sadd.s32 $0x1, s4  }
0x67: {  	p0 =	sne.s32 s4, s12  }
.Ltmp2:
0x68: {  	[bflag:$0x0] =	sbarrier.arrive $0xFFFF;
	(pc) =	sbr.rel @p0 .LBB2_1-.Ltmp2, $4  }
0x69: {  	[hbm:s11], [sflag:s8] =	dma.local [spmem:s13], $0x2780  }
0x6a: {  	_ =	swait.ge [sflag:s14], $0x2780  }
0x6b: {  	[sflag:s14] =	ssyncset.done $0x0  }
0x6c: {  	[sflag:s14] =	ssyncadd.s32 $0xFFFFD880  }
0x6d: {  	_ =	sfence.sel $0x180000  }
0x6e: {  	[bflag:$0x0] =	sbarrier.arrive $0xFFFF  }
0x6f: {  	p0 =	sne.s32 s1, $0x0;
	_ =	strace $0x9000004A  }
0x70: {  	s0 =	sadd.s32 @!p0 $0x100000, s0;
	[bflag:$0x2] =	sbarrier.arrive $0xFFFF  }
0x71: {  	[sflag:s0] =	ssyncadd.tile.s32 @!p0 $0x1;
	_ =	shalt  }
.Lfunc_end2:
_tile_overlayer_lowered:
.L_overlay_start_2:
0x72: {  	(tag) =	ssettag $0x2  }
0x73: {  	s0 =	rddreg [dreg:$0x0];
	s2 =	stileid.u32  }
0x74: {  	s1 =	rddreg [dreg:$0x1];
	p0 =	sne.s32 s2, $0x0  }
0x75: {  	s3 =	rddreg [dreg:$0x2];
	[bflag:$0x3] =	sbarrier.arrive $0xFFFF;
	s2 =	simm.s32 @!p0 $0x1C03  }
0x76: {  	[timem:s3], [sflag:s2] =	dma.local @!p0 [hbm:s0], s1  }
0x77: {  	s0 =	simm.s32 @!p0 $0x3  }
0x78: {  	_ =	swait.ge @!p0 [sflag:s0], s1  }
0x79: {  	s1 =	ssub.s32 @!p0 $0x0, s1;
	[sflag:s0] =	ssyncset.done @!p0 $0x0  }
0x7a: {  	[sflag:s0] =	ssyncadd.s32 @!p0 s1  }
0x7b: {  	[bflag:$0x3] =	sbarrier.arrive $0xFFFF  }
0x7c: {  	_ =	shalt  }

// kernel: kernel.14.cloned.1.call-start
scs
__scs_entry_jumppad:
0x0: {  	(pc) =	sbr.rel $0x88, $3  }
0x1: {  	(tag) =	ssettag $0x0;
	lr =	simm.s32 $0x1  }
0x2: {  	[smem:$0x3F98] =	sst lr;
	_ =	strace $0xD0000000  }
0x3: {  	_ = 	snop  }
0x4: {  	_ = 	snop  }
0x5: {  	_ = 	snop  }
0x6: {  	_ = 	snop  }
0x7: {  	_ = 	snop  }
__scs_overlays_trampoline_lowered:
0x8: {  	[smem:$0x3FA7] =	sst s0  }
0x9: {  	[smem:$0x3FA8] =	sst s1  }
0xa: {  	[smem:$0x3FA9] =	sst s2  }
0xb: {  	[smem:$0x3FAA] =	sst s3  }
0xc: {  	[smem:$0x3FAB] =	sst s4  }
0xd: {  	[smem:$0x3FAC] =	sst s5  }
0xe: {  	[smem:$0x3FAD] =	sst s6  }
0xf: {  	[smem:$0x3FAE] =	sst s7  }
0x10: {  	[smem:$0x3FAF] =	sst s8  }
0x11: {  	[smem:$0x3FB0] =	sst s9;
	s0 =	simm.s32 @!p0 $0x0  }
0x12: {  	s1 =	sld [smem:$0x3F96];
	s0 =	simm.s32 @p0 $0x1  }
0x13: {  	[smem:$0x3FB1] =	sst s0;
	s0 =	simm.s32 @!p1 $0x0  }
0x14: {  	s2 =	sld [smem:$0x3F95];
	s0 =	simm.s32 @p1 $0x1  }
0x15: {  	[smem:$0x3FB2] =	sst s0;
	s0 =	simm.s32 @!p2 $0x0  }
0x16: {  	s3 =	sld [smem:$0x3FDB];
	s0 =	simm.s32 @p2 $0x1  }
0x17: {  	s4 =	simm.s32 $0x1BF5;
	[smem:$0x3FB4] =	sst s0  }
0x18: {  	s0 =	sld [smem:$0x3F97];
	_ =	swait.ge [sflag:s4], $0x0  }
0x19: {  	s7 =	sld [smem:$0x3F98]  }
0x1a: {  	s8 =	sadd.s32 $0xFFFFE003, lr  }
0x1b: {  	s9 =	sadd.s32 $0xFFFFFEF7, lr;
	s5 =	simm.s32 $0xFFFFFFFF;
	p2 =	slt.u32 s8, $0xFFFFF086  }
0x1c: {  	p1 =	slt.u32 s9, $0xF7A;
	s5 =	simm.s32 @!p2 $0x0  }
0x1d: {  	s5 =	simm.s32 @p1 $0x1;
	p0 =	seq.s32 s7, s2  }
0x1e: {  	s7 =	smul.u32 @!p0 $0xF7A, s2;
	p2 =	seq.s32 @!p0 s5, $0x0  }
0x1f: {  	s9 =	smul.u32 $0xF7A, s1;
	s8 =	simm.s32 @!p0 $0x1BF5;
	p2 =	por !p2, p0  }
0x20: {  	[sflag:s8] =	ssyncset.s32 @!p0 $0xFFFFF086;
	s6 =	sadd.s32 @!p0 s3, s7;
	s7 =	simm.s32 @!p0 $0x108  }
0x21: {  	s3 =	sadd.s32 s3, s9;
	s6 =	sadd.s32 @!p0 $0x88, s6;
	s7 =	simm.s32 @p2 $0x1082  }
0x22: {  	[simem:s7], [sflag:s8] =	dma.local @!p0 [hbm:s6], $0xF7A  }
0x23: {  	s9 =	sor.u32 $0xD0000000, s2;
	s6 =	simm.s32 $0x108;
	_ =	swait.ge @!p0 [sflag:s8], $0x0  }
0x24: {  	s3 =	sadd.s32 $0x88, s3;
	s6 =	simm.s32 @!p1 $0x1082;
	[sflag:s4] =	ssyncset.s32 $0xFFFFF086  }
0x25: {  	[simem:s6], [sflag:s4] =	dma.local [hbm:s3], $0xF7A  }
0x26: {  	[smem:$0x3F98] =	sst s1;
	(tag) =	ssettag s2;
	_ =	strace s9  }
0x27: {  	s1 =	sld [smem:$0x3FA8]  }
0x28: {  	s2 =	sld [smem:$0x3FA9]  }
0x29: {  	s4 =	sld [smem:$0x3FAB]  }
0x2a: {  	p0 =	seq.s32 s5, $0x0;
	s5 =	sld [smem:$0x3FAC]  }
0x2b: {  	s6 =	sld [smem:$0x3FAD]  }
0x2c: {  	s7 =	sld [smem:$0x3FAE]  }
0x2d: {  	s3 =	simm.s32 $0x108;
	s8 =	sld [smem:$0x3FAF]  }
0x2e: {  	s3 =	simm.s32 @!p0 $0x1082;
	s9 =	sld [smem:$0x3FB0]  }
0x2f: {  	lr =	sadd.s32 s0, s3;
	s0 =	sld [smem:$0x3FA7]  }
0x30: {  	s3 =	sld [smem:$0x3FAA]  }
0x31: {  	[smem:$0x3FB3] =	sst s10  }
0x32: {  	s10 =	sld [smem:$0x3FB1];
	_ =	sdelay $0x3  }
0x33: {  	p0 =	seq.s32 s10, $0x1;
	s10 =	sld [smem:$0x3FB3];
	_ =	sdelay $0x3  }
0x34: {  	[smem:$0x3FB3] =	sst s10  }
0x35: {  	s10 =	sld [smem:$0x3FB2];
	_ =	sdelay $0x3  }
0x36: {  	p1 =	seq.s32 s10, $0x1;
	s10 =	sld [smem:$0x3FB3];
	_ =	sdelay $0x3  }
0x37: {  	[smem:$0x3FB3] =	sst s10  }
0x38: {  	s10 =	sld [smem:$0x3FB4]  }
0x39: {  	_ = 	snop;
	(pc) =	sbr.ind lr, $3  }
0x3a: {  	_ = 	snop  }
0x3b: {  	_ = 	snop  }
0x3c: {  	p2 =	seq.s32 s10, $0x1;
	s10 =	sld [smem:$0x3FB3]  }
0x3d: {  	_ =	shalt  }
0x3e: {  	_ =	shalt  }
0x3f: {  	_ =	shalt  }
0x40: {  	_ =	shalt  }
0x41: {  	_ =	shalt  }
0x42: {  	_ =	shalt  }
0x43: {  	_ =	shalt  }
0x44: {  	_ =	shalt  }
0x45: {  	_ =	shalt  }
0x46: {  	_ =	shalt  }
0x47: {  	_ =	shalt  }
0x48: {  	_ =	shalt  }
0x49: {  	_ =	shalt  }
0x4a: {  	_ =	shalt  }
0x4b: {  	_ =	shalt  }
0x4c: {  	_ =	shalt  }
0x4d: {  	_ =	shalt  }
0x4e: {  	_ =	shalt  }
0x4f: {  	_ =	shalt  }
0x50: {  	_ =	shalt  }
0x51: {  	_ =	shalt  }
0x52: {  	_ =	shalt  }
0x53: {  	_ =	shalt  }
0x54: {  	_ =	shalt  }
0x55: {  	_ =	shalt  }
0x56: {  	_ =	shalt  }
0x57: {  	_ =	shalt  }
0x58: {  	_ =	shalt  }
0x59: {  	_ =	shalt  }
0x5a: {  	_ =	shalt  }
0x5b: {  	_ =	shalt  }
0x5c: {  	_ =	shalt  }
0x5d: {  	_ =	shalt  }
0x5e: {  	_ =	shalt  }
0x5f: {  	_ =	shalt  }
0x60: {  	_ =	shalt  }
0x61: {  	_ =	shalt  }
0x62: {  	_ =	shalt  }
0x63: {  	_ =	shalt  }
0x64: {  	_ =	shalt  }
0x65: {  	_ =	shalt  }
0x66: {  	_ =	shalt  }
0x67: {  	_ =	shalt  }
0x68: {  	_ =	shalt  }
0x69: {  	_ =	shalt  }
0x6a: {  	_ =	shalt  }
0x6b: {  	_ =	shalt  }
0x6c: {  	_ =	shalt  }
0x6d: {  	_ =	shalt  }
0x6e: {  	_ =	shalt  }
0x6f: {  	_ =	shalt  }
0x70: {  	_ =	shalt  }
0x71: {  	_ =	shalt  }
0x72: {  	_ =	shalt  }
0x73: {  	_ =	shalt  }
0x74: {  	_ =	shalt  }
0x75: {  	_ =	shalt  }
0x76: {  	_ =	shalt  }
0x77: {  	_ =	shalt  }
0x78: {  	_ =	shalt  }
0x79: {  	_ =	shalt  }
0x7a: {  	_ =	shalt  }
0x7b: {  	_ =	shalt  }
0x7c: {  	_ =	shalt  }
0x7d: {  	_ =	shalt  }
0x7e: {  	_ =	shalt  }
0x7f: {  	_ =	shalt  }
0x80: {  	_ =	shalt  }
0x81: {  	_ =	shalt  }
0x82: {  	_ =	shalt  }
0x83: {  	_ =	shalt  }
0x84: {  	_ =	shalt  }
0x85: {  	_ =	shalt  }
0x86: {  	_ =	shalt  }
0x87: {  	_ =	shalt  }
.Lfunc_end0:
.L_simem_size_0:
called_computation.2_lowered:
.L_overlay_start_0:
0x88: {  	s2 =	sld [smem:$0x3FD9]  }
0x89: {  	s3 =	sld [smem:$0x3FFE];
	_ =	sdelay $0x1  }
0x8a: {  	s1 =	srdreg.scid  }
0x8b: {  	s0 =	sand.u32 $0x1, s1  }
0x8c: {  	s16 =	sshll.u32 s0, $0xA;
	s2 =	sadd.s32 s3, s2  }
0x8d: {  	s2 =	sadd.s32 s2, s16  }
0x8e: {  	[smem:$0x3FBF] =	sst s2  }
0x8f: {  	_ = 	snop  }
0x90: {  	(tm) =	ssettm $0x1  }
0x91: {  	s17 =	sld [smem:$0x3FFB];
	_ =	sdelay $0x3  }
0x92: {  	_ =	strace s17  }
0x93: {  	s2 =	sld [smem:$0x3FFC];
	_ =	sdelay $0x3  }
0x94: {  	_ =	strace s2  }
0x95: {  	s2 =	sld [smem:$0x3FFD];
	_ =	sdelay $0x3  }
0x96: {  	_ =	strace s2  }
0x97: {  	_ =	strace $0x8FFFFFFF  }
0x98: {  	s18 =	sld [smem:$0x3FDB];
	_ =	sdelay $0x1  }
0x99: {  	s19 =	simm.s32 $_scs_section_size  }
0x9a: {  	s4 =	simm.s32 $_size__tile_overlayer_lowered;
	s5 =	simm.s32 $_tile_overlayer_lowered  }
0x9b: {  	s22 =	simm.s32 $0x1BFF;
	s21 =	sshll.u32 s5, $0x1;
	s2 =	sadd.s32 s19, s18  }
0x9c: {  	s6 =	simm.s32 $0x0;
	s20 =	sshll.u32 s4, $0x1;
	s4 =	sadd.s32 s21, s2  }
0x9d: {  	[timem:s6], [sflag:s22] =	dma.local [hbm:s4], s20  }
0x9e: {  	_ =	swait.ge [sflag:s22], s20  }
0x9f: {  	s3 =	ssub.s32 $0x0, s20;
	[sflag:s22] =	ssyncset.done $0x0  }
0xa0: {  	[sflag:s22] =	ssyncadd.s32 s3;
	_ =	sdelay $0x1  }
0xa1: {  	s23 =	simm.s32 $0x1B8B  }
0xa2: {  	_ =	swait.ge [sflag:s23], $0x1  }
0xa3: {  	[sflag:s23] =	ssyncset.done $0x0  }
0xa4: {  	s25 =	simm.s32 $0x1B8E;
	s24 =	sld [smem:$0x3FFE];
	[sflag:s23] =	ssyncadd.s32 $0xFFFFFFFF  }
0xa5: {  	s26 =	simm.s32 $execute0_lowered;
	[smem:$0x3FD2] =	sst s25  }
0xa6: {  	s4 =	sshll.u32 s26, $0x1;
	_ =	strace $0x8000004C;
	[dreg:$0x1] =	wrdreg $0xFFFFFFFF  }
0xa7: {  	s28 =	simm.s32 $_size_execute0_lowered;
	s2 =	sadd.s32 s2, s4;
	[dreg:$0x0] =	wrdreg $0x0  }
0xa8: {  	s4 =	sshll.u32 s28, $0x1;
	[dreg:$0x2] =	wrdreg s2  }
0xa9: {  	[dreg:$0x3] =	wrdreg s4  }
0xaa: {  	[dreg:$0x4] =	wrdreg $0xC0  }
0xab: {  	_ =	task [dreg:s6], $0x5FFFF  }
0xac: {  	[dreg:$0x1] =	wrdreg $0xFFFFFFFF  }
0xad: {  	[dreg:$0x0] =	wrdreg $0x60  }
0xae: {  	[dreg:$0x2] =	wrdreg s24  }
0xaf: {  	[dreg:$0x3] =	wrdreg $0x0  }
0xb0: {  	[dreg:$0x4] =	wrdreg $0x9  }
0xb1: {  	_ =	task.clear_ibuf [dreg:s6], $0x5FFFF;
	_ =	strace $0x9000004C  }
0xb2: {  	s29 =	simm.s32 $0x9;
	_ =	strace $0x8000004E  }
0xb3: {  	_ =	swait.ge [sflag:s29], $0x1  }
0xb4: {  	[sflag:s29] =	ssyncadd.s32 $0xFFFFFFFF  }
0xb5: {  	_ =	strace $0x9000004E  }
0xb6: {  	_ =	sfence  }
0xb7: {  	s30 =	sld [smem:$0x0];
	_ =	sdelay $0x2  }
0xb8: {  	s31 =	sshll.u32 s1, $0xD;
	s1 =	sshrl.u32 s1, $0x2  }
0xb9: {  	s3 =	sand.u32 $0x4000, s31;
	s1 =	sadd.s32 s1, s30  }
0xba: {  	s0 =	sor.u32 s3, s0;
	s1 =	sshll.u32 s1, $0x11  }
0xbb: {  	s0 =	sor.u32 s1, s0  }
0xbc: {  	s0 =	sadd.s32 $0x8F2B, s0  }
0xbd: {  	[sflag:s0] =	ssyncadd.remote.s32 $0x1  }
0xbe: {  	_ =	sfence.sel $0xFFFF  }
0xbf: {  	[dreg:$0x0] =	wrdreg $0xFFFFFFFF;
	(pc) =	sbr.abs _section_cstart, $3  }
0xc0: {  	[dreg:$0x1] =	wrdreg $0xFFFFFFFF  }
0xc1: {  	_ =	task.clear_ibuf [dreg:s6], $0x2FFFF;
	_ =	strace $0x9FFFFFFF  }
0xc2: {  	(tm) =	ssettm $0x7FFFFFFF  }
0xc3: {  	_ =	shalt  }
tec
execute0_lowered:
.L_overlay_start_1:
0x0: {  	(tag) =	ssettag $0x1  }
0x1: {  	s5 =	rddreg [dreg:$0x0]  }
0x2: {  	s2 =	rddreg [dreg:$0x1]  }
0x3: {  	s0 =	rddreg [dreg:$0x2]  }
0x4: {  	s1 =	stileid.u32;
	s4 =	srdreg.scid;
	s3 =	simm.s32 $0x0  }
0x5: {  	s15 =	simm.s32 $0x13C00;
	s16 =	simm.s32 $0x15000;
	s17 =	simm.s32 $0x80  }
0x6: {  	s18 =	simm.s32 $0x16400;
	s19 =	simm.s32 $0x1A400;
	s20 =	simm.s32 $0x1  }
0x7: {  	s21 =	simm.s32 $0x2;
	s22 =	simm.s32 $0x14F80;
	s23 =	simm.s32 $0x16300  }
0x8: {  	s24 =	simm.s32 $0x16380;
	s25 =	simm.s32 $0x0;
	s6 =	smul.u32 $0x13C00, s1  }
0x9: {  	s7 =	sand.u32 $0x1, s4;
	[smem:$0x7FF] =	sst s3;
	s4 =	sadd.s32 $0x8F000, s5  }
0xa: {  	s11 =	sadd.s32 $0x4000, s5;
	s12 =	sadd.s32 $0xE000, s5;
	s9 =	smul.u32 $0x4F000, s1  }
0xb: {  	s31 =	sshll.u32 s1, $0x6;
	s8 =	smul.u32 $0x13C000, s7;
	s30 =	ssub.s32 $0x2, s7  }
0xc: {  	_ =	strace $0x8000004D;
	s7 =	sshll.u32 s7, $0x4;
	s10 =	sshrl.u32 s30, $0x1  }
0xd: {  	s9 =	sshrl.u32 s9, $0x2;
	s7 =	sor.u32 s1, s7;
	s8 =	sadd.s32 s6, s8  }
0xe: {  	s6 =	sshrl.u32 s6, $0x3;
	s10 =	ssub.s32 s30, s10;
	s13 =	sadd.s32 s9, s2  }
0xf: {  	s14 =	smul.u32 $0x500, s7;
	s8 =	sshrl.u32 s8, $0x3;
	s6 =	sadd.s32 s6, s5  }
0x10: {  	s13 =	sshrl.u32 s13, $0x3;
	s8 =	sadd.s32 s8, s5;
	s5 =	sadd.s32 $0x18000, s6  }
0x11: {  	s6 =	sor.u32 $0x1C03, s31;
	s9 =	sadd.s32 s11, s14;
	s7 =	sadd.s32 $0xB6800, s8  }
0x12: {  	s8 =	smax.u32 s10, $0x1;
	s10 =	sadd.s32 s12, s14;
	s14 =	sadd.s32 $0x280, s14  }
0x13: {  	s11 =	sadd.s32 s11, s14;
	s12 =	sadd.s32 s12, s14;
	s14 =	simm.s32 $0x3  }
.LBB2_1:
0x14: {  	[spmem:s13], [sflag:s6] =	dma.local [hbm:s5], $0x2780  }
0x15: {  	_ =	swait.ge [sflag:s14], $0x2780  }
0x16: {  	[sflag:s14] =	ssyncset.done $0x0  }
0x17: {  	[sflag:s14] =	ssyncadd.s32 $0xFFFFD880  }
0x18: {  	[bflag:$0x0] =	sbarrier.arrive $0xFFFF  }
0x19: {  	[tilespmem:s15], [sflag:$0x3] =	stream.linear.gather [hbm4b:s9+s3], $0x1400, $0x38;
	[tilespmem:$0x1E400] =	vst v63  }
0x1a: {  	_ =	swait.ge [sflag:s14], $0x1400  }
0x1b: {  	[sflag:s14] =	ssyncset.done $0x0  }
0x1c: {  	[sflag:s14] =	ssyncadd.s32 $0xFFFFEC00  }
0x1d: {  	[tilespmem:s16], [sflag:$0x3] =	stream.linear.gather [hbm4b:s10+s3], $0x1400, $0x38;
	[tilespmem:$0x1E400] =	vst v63  }
0x1e: {  	_ =	swait.ge [sflag:s14], $0x1400  }
0x1f: {  	[sflag:s14] =	ssyncset.done $0x0  }
0x20: {  	[sflag:s14] =	ssyncadd.s32 $0xFFFFEC00  }
0x21: {  	[tilespmem:s18], [sflag:$0x1] =	stream.indirect.gather [hbm4b:s4+s17], $0x80, s15, s17, $0xb8;
	[tilespmem:$0x1E400] =	vst v63  }
0x22: {  	s26 =	simm.s32 $0x13C80  }
0x23: {  	[tilespmem:s19], [sflag:$0x2] =	stream.indirect.gather [hbm4b:s4+s17], $0x80, s26, s17, $0xb8;
	[tilespmem:$0x1E400] =	vst v63  }
0x24: {  	_ =	swait.ge [sflag:s20], $0x4000  }
0x25: {  	[sflag:s20] =	ssyncset.done $0x0  }
0x26: {  	s29 =	simm.s32 $0x15000;
	[sflag:s20] =	ssyncadd.s32 $0xFFFFC000  }
0x27: {  	[spmem:s2] =	stream.indirect.scatter.add.f32 [tilespmem:s18], [sflag:$0x3], $0x80, s29, s17, $0xb8;
	[tilespmem:$0x1E400] =	vst v63  }
0x28: {  	_ =	swait.ge [sflag:s14], $0x4000  }
0x29: {  	[sflag:s14] =	ssyncset.done $0x0  }
0x2a: {  	s30 =	simm.s32 $0x13D00;
	[sflag:s14] =	ssyncadd.s32 $0xFFFFC000  }
0x2b: {  	[tilespmem:s18], [sflag:$0x1] =	stream.indirect.gather [hbm4b:s4+s17], $0x80, s30, s17, $0xb8;
	[tilespmem:$0x1E400] =	vst v63  }
0x2c: {  	_ =	swait.ge [sflag:s21], $0x4000  }
0x2d: {  	[sflag:s21] =	ssyncset.done $0x0  }
0x2e: {  	s31 =	simm.s32 $0x15080;
	[sflag:s21] =	ssyncadd.s32 $0xFFFFC000  }
0x2f: {  	[spmem:s2] =	stream.indirect.scatter.add.f32 [tilespmem:s19], [sflag:$0x3], $0x80, s31, s17, $0xb8;
	[tilespmem:$0x1E400] =	vst v63  }
0x30: {  	_ =	swait.ge [sflag:s14], $0x4000  }
0x31: {  	s28 =	simm.s32 $0x800;
	s26 =	simm.s32 $0x100;
	[sflag:s14] =	ssyncset.done $0x0  }
.LBB2_2:
0x32: {  	s29 =	sadd.s32 $0x13C80, s26  }
0x33: {  	[sflag:s14] =	ssyncadd.s32 $0xFFFFC000;
	s30 =	smov.u32 s28;
	s31 =	sadd.s32 $0x400, s28  }
0x34: {  	[tilespmem:s19], [sflag:$0x2] =	stream.indirect.gather [hbm4b:s4+s17], $0x80, s29, s17, $0xb8;
	[tilespmem:$0x1E400] =	vst v63  }
0x35: {  	p0 =	sne.s32 s28, $0x4800;
	_ =	swait.ge [sflag:s20], $0x4000  }
0x36: {  	[sflag:s20] =	ssyncset.done $0x0  }
0x37: {  	s28 =	sadd.s32 $0x15000, s26;
	[sflag:s20] =	ssyncadd.s32 $0xFFFFC000  }
0x38: {  	[spmem:s2] =	stream.indirect.scatter.add.f32 [tilespmem:s18], [sflag:$0x3], $0x80, s28, s17, $0xb8;
	[tilespmem:$0x1E400] =	vst v63  }
0x39: {  	_ =	swait.ge [sflag:s14], $0x4000  }
0x3a: {  	[sflag:s14] =	ssyncset.done $0x0  }
0x3b: {  	s28 =	sadd.s32 $0x13D00, s26;
	[sflag:s14] =	ssyncadd.s32 $0xFFFFC000  }
0x3c: {  	[tilespmem:s18], [sflag:$0x1] =	stream.indirect.gather [hbm4b:s4+s17], $0x80, s28, s17, $0xb8;
	[tilespmem:$0x1E400] =	vst v63  }
0x3d: {  	_ =	swait.ge [sflag:s21], $0x4000  }
.Ltmp0:
0x3e: {  	[sflag:s21] =	ssyncset.done $0x0;
	(pc) =	sbr.rel @p0 .LBB2_2-.Ltmp0, $4  }
0x3f: {  	s26 =	sadd.s32 $0x15080, s26;
	[sflag:s21] =	ssyncadd.s32 $0xFFFFC000  }
0x40: {  	[spmem:s2] =	stream.indirect.scatter.add.f32 [tilespmem:s19], [sflag:$0x3], $0x80, s26, s17, $0xb8;
	[tilespmem:$0x1E400] =	vst v63  }
0x41: {  	_ =	swait.ge [sflag:s14], $0x4000  }
0x42: {  	s28 =	smov.u32 s31;
	s26 =	sshra.s32 s30, $0x2;
	[sflag:s14] =	ssyncset.done $0x0  }
0x43: {  	s28 =	sadd.s32 $0x13C80, s26;
	[sflag:s14] =	ssyncadd.s32 $0xFFFFC000  }
0x44: {  	[tilespmem:s19], [sflag:$0x2] =	stream.indirect.gather [hbm4b:s4+s17], $0x80, s28, s17, $0xb8;
	[tilespmem:$0x1E400] =	vst v63  }
0x45: {  	_ =	swait.ge [sflag:s20], $0x4000  }
0x46: {  	[sflag:s20] =	ssyncset.done $0x0  }
0x47: {  	s28 =	sadd.s32 $0x15000, s26;
	[sflag:s20] =	ssyncadd.s32 $0xFFFFC000  }
0x48: {  	[spmem:s2] =	stream.indirect.scatter.add.f32 [tilespmem:s18], [sflag:$0x3], $0x80, s28, s17, $0xb8;
	[tilespmem:$0x1E400] =	vst v63  }
0x49: {  	_ =	swait.ge [sflag:s14], $0x4000  }
0x4a: {  	[sflag:s14] =	ssyncset.done $0x0  }
0x4b: {  	s28 =	sadd.s32 $0x13D00, s26;
	[sflag:s14] =	ssyncadd.s32 $0xFFFFC000  }
0x4c: {  	[tilespmem:s18], [sflag:$0x1] =	stream.indirect.gather [hbm4b:s4+s17], $0x80, s28, s17, $0xb8;
	[tilespmem:$0x1E400] =	vst v63  }
0x4d: {  	_ =	swait.ge [sflag:s21], $0x4000  }
0x4e: {  	[sflag:s21] =	ssyncset.done $0x0  }
0x4f: {  	s29 =	sadd.s32 $0x15080, s26;
	[sflag:s21] =	ssyncadd.s32 $0xFFFFC000  }
0x50: {  	[spmem:s2] =	stream.indirect.scatter.add.f32 [tilespmem:s19], [sflag:$0x3], $0x80, s29, s17, $0xb8;
	[tilespmem:$0x1E400] =	vst v63  }
0x51: {  	_ =	swait.ge [sflag:s14], $0x4000  }
0x52: {  	[sflag:s14] =	ssyncset.done $0x0  }
0x53: {  	[sflag:s14] =	ssyncadd.s32 $0xFFFFC000  }
0x54: {  	[tilespmem:s19], [sflag:$0x2] =	stream.indirect.gather [hbm4b:s4+s17], $0x80, s22, s17, $0xb8;
	[tilespmem:$0x1E400] =	vst v63  }
0x55: {  	_ =	swait.ge [sflag:s20], $0x4000  }
0x56: {  	[sflag:s20] =	ssyncset.done $0x0  }
0x57: {  	[sflag:s20] =	ssyncadd.s32 $0xFFFFC000  }
0x58: {  	[spmem:s2] =	stream.indirect.scatter.add.f32 [tilespmem:s18], [sflag:$0x3], $0x80, s23, s17, $0xb8;
	[tilespmem:$0x1E400] =	vst v63  }
0x59: {  	_ =	swait.ge [sflag:s14], $0x4000  }
0x5a: {  	[sflag:s14] =	ssyncset.done $0x0  }
0x5b: {  	[sflag:s14] =	ssyncadd.s32 $0xFFFFC000  }
0x5c: {  	_ =	swait.ge [sflag:s21], $0x4000  }
0x5d: {  	[sflag:s21] =	ssyncset.done $0x0  }
0x5e: {  	[sflag:s21] =	ssyncadd.s32 $0xFFFFC000  }
0x5f: {  	[spmem:s2] =	stream.indirect.scatter.add.f32 [tilespmem:s19], [sflag:$0x3], $0x80, s24, s17, $0xb8;
	[tilespmem:$0x1E400] =	vst v63  }
0x60: {  	_ =	swait.ge [sflag:s14], $0x4000  }
0x61: {  	[sflag:s14] =	ssyncset.done $0x0  }
0x62: {  	s30 =	simm.s32 $0x0;
	[sflag:s14] =	ssyncadd.s32 $0xFFFFC000  }
0x63: {  	[tilespmem:s15], [sflag:$0x3] =	stream.linear.gather [hbm4b:s11+s30], $0x1400, $0x38;
	[tilespmem:$0x1E400] =	vst v63  }
0x64: {  	_ =	swait.ge [sflag:s14], $0x1400  }
0x65: {  	[sflag:s14] =	ssyncset.done $0x0  }
0x66: {  	[sflag:s14] =	ssyncadd.s32 $0xFFFFEC00  }
0x67: {  	[tilespmem:s16], [sflag:$0x3] =	stream.linear.gather [hbm4b:s12+s30], $0x1400, $0x38;
	[tilespmem:$0x1E400] =	vst v63  }
0x68: {  	_ =	swait.ge [sflag:s14], $0x1400  }
0x69: {  	[sflag:s14] =	ssyncset.done $0x0  }
0x6a: {  	[sflag:s14] =	ssyncadd.s32 $0xFFFFEC00  }
0x6b: {  	[tilespmem:s18], [sflag:$0x1] =	stream.indirect.gather [hbm4b:s4+s17], $0x80, s15, s17, $0xb8;
	[tilespmem:$0x1E400] =	vst v63  }
0x6c: {  	s31 =	simm.s32 $0x13C80  }
0x6d: {  	[tilespmem:s19], [sflag:$0x2] =	stream.indirect.gather [hbm4b:s4+s17], $0x80, s31, s17, $0xb8;
	[tilespmem:$0x1E400] =	vst v63  }
0x6e: {  	_ =	swait.ge [sflag:s20], $0x4000  }
0x6f: {  	[sflag:s20] =	ssyncset.done $0x0  }
0x70: {  	s29 =	simm.s32 $0x15000;
	[sflag:s20] =	ssyncadd.s32 $0xFFFFC000  }
0x71: {  	[spmem:s2] =	stream.indirect.scatter.add.f32 [tilespmem:s18], [sflag:$0x3], $0x80, s29, s17, $0xb8;
	[tilespmem:$0x1E400] =	vst v63  }
0x72: {  	_ =	swait.ge [sflag:s14], $0x4000  }
0x73: {  	[sflag:s14] =	ssyncset.done $0x0  }
0x74: {  	s30 =	simm.s32 $0x13D00;
	[sflag:s14] =	ssyncadd.s32 $0xFFFFC000  }
0x75: {  	[tilespmem:s18], [sflag:$0x1] =	stream.indirect.gather [hbm4b:s4+s17], $0x80, s30, s17, $0xb8;
	[tilespmem:$0x1E400] =	vst v63  }
0x76: {  	_ =	swait.ge [sflag:s21], $0x4000  }
0x77: {  	[sflag:s21] =	ssyncset.done $0x0  }
0x78: {  	s31 =	simm.s32 $0x15080;
	[sflag:s21] =	ssyncadd.s32 $0xFFFFC000  }
0x79: {  	[spmem:s2] =	stream.indirect.scatter.add.f32 [tilespmem:s19], [sflag:$0x3], $0x80, s31, s17, $0xb8;
	[tilespmem:$0x1E400] =	vst v63  }
0x7a: {  	_ =	swait.ge [sflag:s14], $0x4000  }
0x7b: {  	s26 =	simm.s32 $0x100;
	s28 =	simm.s32 $0x800;
	[sflag:s14] =	ssyncset.done $0x0  }
.LBB2_4:
0x7c: {  	s29 =	sadd.s32 $0x13C80, s26  }
0x7d: {  	[sflag:s14] =	ssyncadd.s32 $0xFFFFC000;
	s30 =	smov.u32 s28;
	s31 =	sadd.s32 $0x400, s28  }
0x7e: {  	[tilespmem:s19], [sflag:$0x2] =	stream.indirect.gather [hbm4b:s4+s17], $0x80, s29, s17, $0xb8;
	[tilespmem:$0x1E400] =	vst v63  }
0x7f: {  	p0 =	sne.s32 s28, $0x4800;
	_ =	swait.ge [sflag:s20], $0x4000  }
0x80: {  	[sflag:s20] =	ssyncset.done $0x0  }
0x81: {  	s28 =	sadd.s32 $0x15000, s26;
	[sflag:s20] =	ssyncadd.s32 $0xFFFFC000  }
0x82: {  	[spmem:s2] =	stream.indirect.scatter.add.f32 [tilespmem:s18], [sflag:$0x3], $0x80, s28, s17, $0xb8;
	[tilespmem:$0x1E400] =	vst v63  }
0x83: {  	_ =	swait.ge [sflag:s14], $0x4000  }
0x84: {  	[sflag:s14] =	ssyncset.done $0x0  }
0x85: {  	s28 =	sadd.s32 $0x13D00, s26;
	[sflag:s14] =	ssyncadd.s32 $0xFFFFC000  }
0x86: {  	[tilespmem:s18], [sflag:$0x1] =	stream.indirect.gather [hbm4b:s4+s17], $0x80, s28, s17, $0xb8;
	[tilespmem:$0x1E400] =	vst v63  }
0x87: {  	_ =	swait.ge [sflag:s21], $0x4000  }
.Ltmp1:
0x88: {  	[sflag:s21] =	ssyncset.done $0x0;
	(pc) =	sbr.rel @p0 .LBB2_4-.Ltmp1, $4  }
0x89: {  	s26 =	sadd.s32 $0x15080, s26;
	[sflag:s21] =	ssyncadd.s32 $0xFFFFC000  }
0x8a: {  	[spmem:s2] =	stream.indirect.scatter.add.f32 [tilespmem:s19], [sflag:$0x3], $0x80, s26, s17, $0xb8;
	[tilespmem:$0x1E400] =	vst v63  }
0x8b: {  	_ =	swait.ge [sflag:s14], $0x4000  }
0x8c: {  	s28 =	smov.u32 s31;
	s26 =	sshra.s32 s30, $0x2;
	[sflag:s14] =	ssyncset.done $0x0  }
0x8d: {  	s28 =	sadd.s32 $0x13C80, s26;
	[sflag:s14] =	ssyncadd.s32 $0xFFFFC000  }
0x8e: {  	[tilespmem:s19], [sflag:$0x2] =	stream.indirect.gather [hbm4b:s4+s17], $0x80, s28, s17, $0xb8;
	[tilespmem:$0x1E400] =	vst v63  }
0x8f: {  	_ =	swait.ge [sflag:s20], $0x4000  }
0x90: {  	[sflag:s20] =	ssyncset.done $0x0  }
0x91: {  	s29 =	sadd.s32 $0x15000, s26;
	[sflag:s20] =	ssyncadd.s32 $0xFFFFC000  }
0x92: {  	[spmem:s2] =	stream.indirect.scatter.add.f32 [tilespmem:s18], [sflag:$0x3], $0x80, s29, s17, $0xb8;
	[tilespmem:$0x1E400] =	vst v63  }
0x93: {  	_ =	swait.ge [sflag:s14], $0x4000  }
0x94: {  	[sflag:s14] =	ssyncset.done $0x0  }
0x95: {  	s30 =	sadd.s32 $0x13D00, s26;
	[sflag:s14] =	ssyncadd.s32 $0xFFFFC000  }
0x96: {  	[tilespmem:s18], [sflag:$0x1] =	stream.indirect.gather [hbm4b:s4+s17], $0x80, s30, s17, $0xb8;
	[tilespmem:$0x1E400] =	vst v63  }
0x97: {  	_ =	swait.ge [sflag:s21], $0x4000  }
0x98: {  	[sflag:s21] =	ssyncset.done $0x0  }
0x99: {  	s31 =	sadd.s32 $0x15080, s26;
	[sflag:s21] =	ssyncadd.s32 $0xFFFFC000  }
0x9a: {  	[spmem:s2] =	stream.indirect.scatter.add.f32 [tilespmem:s19], [sflag:$0x3], $0x80, s31, s17, $0xb8;
	[tilespmem:$0x1E400] =	vst v63  }
0x9b: {  	_ =	swait.ge [sflag:s14], $0x4000  }
0x9c: {  	[sflag:s14] =	ssyncset.done $0x0  }
0x9d: {  	[sflag:s14] =	ssyncadd.s32 $0xFFFFC000  }
0x9e: {  	[tilespmem:s19], [sflag:$0x2] =	stream.indirect.gather [hbm4b:s4+s17], $0x80, s22, s17, $0xb8;
	[tilespmem:$0x1E400] =	vst v63  }
0x9f: {  	_ =	swait.ge [sflag:s20], $0x4000  }
0xa0: {  	[sflag:s20] =	ssyncset.done $0x0  }
0xa1: {  	[sflag:s20] =	ssyncadd.s32 $0xFFFFC000  }
0xa2: {  	[spmem:s2] =	stream.indirect.scatter.add.f32 [tilespmem:s18], [sflag:$0x3], $0x80, s23, s17, $0xb8;
	[tilespmem:$0x1E400] =	vst v63  }
0xa3: {  	_ =	swait.ge [sflag:s14], $0x4000  }
0xa4: {  	[sflag:s14] =	ssyncset.done $0x0  }
0xa5: {  	[sflag:s14] =	ssyncadd.s32 $0xFFFFC000  }
0xa6: {  	_ =	swait.ge [sflag:s21], $0x4000  }
0xa7: {  	[sflag:s21] =	ssyncset.done $0x0  }
0xa8: {  	[sflag:s21] =	ssyncadd.s32 $0xFFFFC000  }
0xa9: {  	[spmem:s2] =	stream.indirect.scatter.add.f32 [tilespmem:s19], [sflag:$0x3], $0x80, s24, s17, $0xb8;
	[tilespmem:$0x1E400] =	vst v63  }
0xaa: {  	_ =	swait.ge [sflag:s14], $0x4000  }
0xab: {  	s25 =	sadd.s32 $0x1, s25;
	[sflag:s14] =	ssyncset.done $0x0  }
0xac: {  	p0 =	sne.s32 s25, s8;
	[sflag:s14] =	ssyncadd.s32 $0xFFFFC000  }
.Ltmp2:
0xad: {  	[bflag:$0x0] =	sbarrier.arrive $0xFFFF;
	(pc) =	sbr.rel @p0 .LBB2_1-.Ltmp2, $4  }
0xae: {  	[hbm:s7], [sflag:s6] =	dma.local [spmem:s13], $0x2780  }
0xaf: {  	_ =	swait.ge [sflag:s14], $0x2780  }
0xb0: {  	[sflag:s14] =	ssyncset.done $0x0  }
0xb1: {  	[sflag:s14] =	ssyncadd.s32 $0xFFFFD880  }
0xb2: {  	_ =	sfence.sel $0x180000  }
0xb3: {  	[bflag:$0x0] =	sbarrier.arrive $0xFFFF  }
0xb4: {  	p0 =	sne.s32 s1, $0x0;
	_ =	strace $0x9000004D  }
0xb5: {  	s0 =	sadd.s32 @!p0 $0x100000, s0;
	[bflag:$0x2] =	sbarrier.arrive $0xFFFF  }
0xb6: {  	[sflag:s0] =	ssyncadd.tile.s32 @!p0 $0x1;
	_ =	shalt  }
.Lfunc_end2:
_tile_overlayer_lowered:
.L_overlay_start_2:
0xb7: {  	(tag) =	ssettag $0x2  }
0xb8: {  	s0 =	rddreg [dreg:$0x0];
	s2 =	stileid.u32  }
0xb9: {  	s1 =	rddreg [dreg:$0x1];
	p0 =	sne.s32 s2, $0x0  }
0xba: {  	s3 =	rddreg [dreg:$0x2];
	[bflag:$0x3] =	sbarrier.arrive $0xFFFF;
	s2 =	simm.s32 @!p0 $0x1C03  }
0xbb: {  	[timem:s3], [sflag:s2] =	dma.local @!p0 [hbm:s0], s1  }
0xbc: {  	s0 =	simm.s32 @!p0 $0x3  }
0xbd: {  	_ =	swait.ge @!p0 [sflag:s0], s1  }
0xbe: {  	s1 =	ssub.s32 @!p0 $0x0, s1;
	[sflag:s0] =	ssyncset.done @!p0 $0x0  }
0xbf: {  	[sflag:s0] =	ssyncadd.s32 @!p0 s1  }
0xc0: {  	[bflag:$0x3] =	sbarrier.arrive $0xFFFF  }
0xc1: {  	_ =	shalt  }

// kernel: kernel.8.cloned.1.call-start
scs
__scs_entry_jumppad:
0x0: {  	(pc) =	sbr.rel $0x88, $3  }
0x1: {  	(tag) =	ssettag $0x0;
	lr =	simm.s32 $0x1  }
0x2: {  	[smem:$0x3F98] =	sst lr;
	_ =	strace $0xD0000000  }
0x3: {  	_ = 	snop  }
0x4: {  	_ = 	snop  }
0x5: {  	_ = 	snop  }
0x6: {  	_ = 	snop  }
0x7: {  	_ = 	snop  }
__scs_overlays_trampoline_lowered:
0x8: {  	[smem:$0x3FA7] =	sst s0  }
0x9: {  	[smem:$0x3FA8] =	sst s1  }
0xa: {  	[smem:$0x3FA9] =	sst s2  }
0xb: {  	[smem:$0x3FAA] =	sst s3  }
0xc: {  	[smem:$0x3FAB] =	sst s4  }
0xd: {  	[smem:$0x3FAC] =	sst s5  }
0xe: {  	[smem:$0x3FAD] =	sst s6  }
0xf: {  	[smem:$0x3FAE] =	sst s7  }
0x10: {  	[smem:$0x3FAF] =	sst s8  }
0x11: {  	[smem:$0x3FB0] =	sst s9;
	s0 =	simm.s32 @!p0 $0x0  }
0x12: {  	s1 =	sld [smem:$0x3F96];
	s0 =	simm.s32 @p0 $0x1  }
0x13: {  	[smem:$0x3FB1] =	sst s0;
	s0 =	simm.s32 @!p1 $0x0  }
0x14: {  	s2 =	sld [smem:$0x3F95];
	s0 =	simm.s32 @p1 $0x1  }
0x15: {  	[smem:$0x3FB2] =	sst s0;
	s0 =	simm.s32 @!p2 $0x0  }
0x16: {  	s3 =	sld [smem:$0x3FDB];
	s0 =	simm.s32 @p2 $0x1  }
0x17: {  	s4 =	simm.s32 $0x1BF5;
	[smem:$0x3FB4] =	sst s0  }
0x18: {  	s0 =	sld [smem:$0x3F97];
	_ =	swait.ge [sflag:s4], $0x0  }
0x19: {  	s7 =	sld [smem:$0x3F98]  }
0x1a: {  	s8 =	sadd.s32 $0xFFFFE003, lr  }
0x1b: {  	s9 =	sadd.s32 $0xFFFFFEF7, lr;
	s5 =	simm.s32 $0xFFFFFFFF;
	p2 =	slt.u32 s8, $0xFFFFF086  }
0x1c: {  	p1 =	slt.u32 s9, $0xF7A;
	s5 =	simm.s32 @!p2 $0x0  }
0x1d: {  	s5 =	simm.s32 @p1 $0x1;
	p0 =	seq.s32 s7, s2  }
0x1e: {  	s7 =	smul.u32 @!p0 $0xF7A, s2;
	p2 =	seq.s32 @!p0 s5, $0x0  }
0x1f: {  	s9 =	smul.u32 $0xF7A, s1;
	s8 =	simm.s32 @!p0 $0x1BF5;
	p2 =	por !p2, p0  }
0x20: {  	[sflag:s8] =	ssyncset.s32 @!p0 $0xFFFFF086;
	s6 =	sadd.s32 @!p0 s3, s7;
	s7 =	simm.s32 @!p0 $0x108  }
0x21: {  	s3 =	sadd.s32 s3, s9;
	s6 =	sadd.s32 @!p0 $0x88, s6;
	s7 =	simm.s32 @p2 $0x1082  }
0x22: {  	[simem:s7], [sflag:s8] =	dma.local @!p0 [hbm:s6], $0xF7A  }
0x23: {  	s9 =	sor.u32 $0xD0000000, s2;
	s6 =	simm.s32 $0x108;
	_ =	swait.ge @!p0 [sflag:s8], $0x0  }
0x24: {  	s3 =	sadd.s32 $0x88, s3;
	s6 =	simm.s32 @!p1 $0x1082;
	[sflag:s4] =	ssyncset.s32 $0xFFFFF086  }
0x25: {  	[simem:s6], [sflag:s4] =	dma.local [hbm:s3], $0xF7A  }
0x26: {  	[smem:$0x3F98] =	sst s1;
	(tag) =	ssettag s2;
	_ =	strace s9  }
0x27: {  	s1 =	sld [smem:$0x3FA8]  }
0x28: {  	s2 =	sld [smem:$0x3FA9]  }
0x29: {  	s4 =	sld [smem:$0x3FAB]  }
0x2a: {  	p0 =	seq.s32 s5, $0x0;
	s5 =	sld [smem:$0x3FAC]  }
0x2b: {  	s6 =	sld [smem:$0x3FAD]  }
0x2c: {  	s7 =	sld [smem:$0x3FAE]  }
0x2d: {  	s3 =	simm.s32 $0x108;
	s8 =	sld [smem:$0x3FAF]  }
0x2e: {  	s3 =	simm.s32 @!p0 $0x1082;
	s9 =	sld [smem:$0x3FB0]  }
0x2f: {  	lr =	sadd.s32 s0, s3;
	s0 =	sld [smem:$0x3FA7]  }
0x30: {  	s3 =	sld [smem:$0x3FAA]  }
0x31: {  	[smem:$0x3FB3] =	sst s10  }
0x32: {  	s10 =	sld [smem:$0x3FB1];
	_ =	sdelay $0x3  }
0x33: {  	p0 =	seq.s32 s10, $0x1;
	s10 =	sld [smem:$0x3FB3];
	_ =	sdelay $0x3  }
0x34: {  	[smem:$0x3FB3] =	sst s10  }
0x35: {  	s10 =	sld [smem:$0x3FB2];
	_ =	sdelay $0x3  }
0x36: {  	p1 =	seq.s32 s10, $0x1;
	s10 =	sld [smem:$0x3FB3];
	_ =	sdelay $0x3  }
0x37: {  	[smem:$0x3FB3] =	sst s10  }
0x38: {  	s10 =	sld [smem:$0x3FB4]  }
0x39: {  	_ = 	snop;
	(pc) =	sbr.ind lr, $3  }
0x3a: {  	_ = 	snop  }
0x3b: {  	_ = 	snop  }
0x3c: {  	p2 =	seq.s32 s10, $0x1;
	s10 =	sld [smem:$0x3FB3]  }
0x3d: {  	_ =	shalt  }
0x3e: {  	_ =	shalt  }
0x3f: {  	_ =	shalt  }
0x40: {  	_ =	shalt  }
0x41: {  	_ =	shalt  }
0x42: {  	_ =	shalt  }
0x43: {  	_ =	shalt  }
0x44: {  	_ =	shalt  }
0x45: {  	_ =	shalt  }
0x46: {  	_ =	shalt  }
0x47: {  	_ =	shalt  }
0x48: {  	_ =	shalt  }
0x49: {  	_ =	shalt  }
0x4a: {  	_ =	shalt  }
0x4b: {  	_ =	shalt  }
0x4c: {  	_ =	shalt  }
0x4d: {  	_ =	shalt  }
0x4e: {  	_ =	shalt  }
0x4f: {  	_ =	shalt  }
0x50: {  	_ =	shalt  }
0x51: {  	_ =	shalt  }
0x52: {  	_ =	shalt  }
0x53: {  	_ =	shalt  }
0x54: {  	_ =	shalt  }
0x55: {  	_ =	shalt  }
0x56: {  	_ =	shalt  }
0x57: {  	_ =	shalt  }
0x58: {  	_ =	shalt  }
0x59: {  	_ =	shalt  }
0x5a: {  	_ =	shalt  }
0x5b: {  	_ =	shalt  }
0x5c: {  	_ =	shalt  }
0x5d: {  	_ =	shalt  }
0x5e: {  	_ =	shalt  }
0x5f: {  	_ =	shalt  }
0x60: {  	_ =	shalt  }
0x61: {  	_ =	shalt  }
0x62: {  	_ =	shalt  }
0x63: {  	_ =	shalt  }
0x64: {  	_ =	shalt  }
0x65: {  	_ =	shalt  }
0x66: {  	_ =	shalt  }
0x67: {  	_ =	shalt  }
0x68: {  	_ =	shalt  }
0x69: {  	_ =	shalt  }
0x6a: {  	_ =	shalt  }
0x6b: {  	_ =	shalt  }
0x6c: {  	_ =	shalt  }
0x6d: {  	_ =	shalt  }
0x6e: {  	_ =	shalt  }
0x6f: {  	_ =	shalt  }
0x70: {  	_ =	shalt  }
0x71: {  	_ =	shalt  }
0x72: {  	_ =	shalt  }
0x73: {  	_ =	shalt  }
0x74: {  	_ =	shalt  }
0x75: {  	_ =	shalt  }
0x76: {  	_ =	shalt  }
0x77: {  	_ =	shalt  }
0x78: {  	_ =	shalt  }
0x79: {  	_ =	shalt  }
0x7a: {  	_ =	shalt  }
0x7b: {  	_ =	shalt  }
0x7c: {  	_ =	shalt  }
0x7d: {  	_ =	shalt  }
0x7e: {  	_ =	shalt  }
0x7f: {  	_ =	shalt  }
0x80: {  	_ =	shalt  }
0x81: {  	_ =	shalt  }
0x82: {  	_ =	shalt  }
0x83: {  	_ =	shalt  }
0x84: {  	_ =	shalt  }
0x85: {  	_ =	shalt  }
0x86: {  	_ =	shalt  }
0x87: {  	_ =	shalt  }
.Lfunc_end0:
.L_simem_size_0:
called_computation_lowered:
.L_overlay_start_0:
0x88: {  	s2 =	sld [smem:$0x3FD9]  }
0x89: {  	s3 =	sld [smem:$0x3FFE];
	_ =	sdelay $0x1  }
0x8a: {  	s1 =	srdreg.scid  }
0x8b: {  	s0 =	sand.u32 $0x1, s1  }
0x8c: {  	s16 =	sshll.u32 s0, $0xA;
	s2 =	sadd.s32 s3, s2  }
0x8d: {  	s2 =	sadd.s32 s2, s16  }
0x8e: {  	[smem:$0x3FBF] =	sst s2  }
0x8f: {  	_ = 	snop  }
0x90: {  	(tm) =	ssettm $0x1  }
0x91: {  	s17 =	sld [smem:$0x3FFB];
	_ =	sdelay $0x3  }
0x92: {  	_ =	strace s17  }
0x93: {  	s2 =	sld [smem:$0x3FFC];
	_ =	sdelay $0x3  }
0x94: {  	_ =	strace s2  }
0x95: {  	s2 =	sld [smem:$0x3FFD];
	_ =	sdelay $0x3  }
0x96: {  	_ =	strace s2  }
0x97: {  	_ =	strace $0x8FFFFFFF  }
0x98: {  	s18 =	sld [smem:$0x3FDB];
	_ =	sdelay $0x1  }
0x99: {  	s19 =	simm.s32 $_scs_section_size  }
0x9a: {  	s4 =	simm.s32 $_size__tile_overlayer_lowered;
	s5 =	simm.s32 $_tile_overlayer_lowered  }
0x9b: {  	s22 =	simm.s32 $0x1BFF;
	s21 =	sshll.u32 s5, $0x1;
	s2 =	sadd.s32 s19, s18  }
0x9c: {  	s6 =	simm.s32 $0x0;
	s20 =	sshll.u32 s4, $0x1;
	s4 =	sadd.s32 s21, s2  }
0x9d: {  	[timem:s6], [sflag:s22] =	dma.local [hbm:s4], s20  }
0x9e: {  	_ =	swait.ge [sflag:s22], s20  }
0x9f: {  	s3 =	ssub.s32 $0x0, s20;
	[sflag:s22] =	ssyncset.done $0x0  }
0xa0: {  	[sflag:s22] =	ssyncadd.s32 s3;
	_ =	sdelay $0x1  }
0xa1: {  	s23 =	simm.s32 $0x1B8B  }
0xa2: {  	_ =	swait.ge [sflag:s23], $0x1  }
0xa3: {  	[sflag:s23] =	ssyncset.done $0x0  }
0xa4: {  	s25 =	simm.s32 $0x1B8E;
	s24 =	sld [smem:$0x3FFE];
	[sflag:s23] =	ssyncadd.s32 $0xFFFFFFFF  }
0xa5: {  	s26 =	simm.s32 $execute0_lowered;
	[smem:$0x3FD2] =	sst s25  }
0xa6: {  	s4 =	sshll.u32 s26, $0x1;
	_ =	strace $0x80000046;
	[dreg:$0x1] =	wrdreg $0xFFFFFFFF  }
0xa7: {  	s28 =	simm.s32 $_size_execute0_lowered;
	s2 =	sadd.s32 s2, s4;
	[dreg:$0x0] =	wrdreg $0x0  }
0xa8: {  	s4 =	sshll.u32 s28, $0x1;
	[dreg:$0x2] =	wrdreg s2  }
0xa9: {  	[dreg:$0x3] =	wrdreg s4  }
0xaa: {  	[dreg:$0x4] =	wrdreg $0xC0  }
0xab: {  	_ =	task [dreg:s6], $0x5FFFF  }
0xac: {  	[dreg:$0x1] =	wrdreg $0xFFFFFFFF  }
0xad: {  	[dreg:$0x0] =	wrdreg $0x60  }
0xae: {  	[dreg:$0x2] =	wrdreg s24  }
0xaf: {  	[dreg:$0x3] =	wrdreg $0x0  }
0xb0: {  	[dreg:$0x4] =	wrdreg $0x9  }
0xb1: {  	_ =	task.clear_ibuf [dreg:s6], $0x5FFFF;
	_ =	strace $0x90000046  }
0xb2: {  	s29 =	simm.s32 $0x9;
	_ =	strace $0x80000048  }
0xb3: {  	_ =	swait.ge [sflag:s29], $0x1  }
0xb4: {  	[sflag:s29] =	ssyncadd.s32 $0xFFFFFFFF  }
0xb5: {  	_ =	strace $0x90000048  }
0xb6: {  	_ =	sfence  }
0xb7: {  	s30 =	sld [smem:$0x0];
	_ =	sdelay $0x2  }
0xb8: {  	s31 =	sshll.u32 s1, $0xD;
	s1 =	sshrl.u32 s1, $0x2  }
0xb9: {  	s3 =	sand.u32 $0x4000, s31;
	s1 =	sadd.s32 s1, s30  }
0xba: {  	s0 =	sor.u32 s3, s0;
	s1 =	sshll.u32 s1, $0x11  }
0xbb: {  	s0 =	sor.u32 s1, s0  }
0xbc: {  	s0 =	sadd.s32 $0x8F2B, s0  }
0xbd: {  	[sflag:s0] =	ssyncadd.remote.s32 $0x1  }
0xbe: {  	_ =	sfence.sel $0xFFFF  }
0xbf: {  	[dreg:$0x0] =	wrdreg $0xFFFFFFFF;
	(pc) =	sbr.abs _section_cstart, $3  }
0xc0: {  	[dreg:$0x1] =	wrdreg $0xFFFFFFFF  }
0xc1: {  	_ =	task.clear_ibuf [dreg:s6], $0x2FFFF;
	_ =	strace $0x9FFFFFFF  }
0xc2: {  	(tm) =	ssettm $0x7FFFFFFF  }
0xc3: {  	_ =	shalt  }
tec
execute0_lowered:
.L_overlay_start_1:
0x0: {  	(tag) =	ssettag $0x1  }
0x1: {  	s0 =	srdreg.scid;
	s1 =	rddreg [dreg:$0x0]  }
0x2: {  	s8 =	stileid.u32;
	s2 =	rddreg [dreg:$0x1]  }
0x3: {  	s3 =	simm.s32 $0x0;
	s11 =	simm.s32 $0x2;
	s12 =	simm.s32 $0x14400  }
0x4: {  	s13 =	simm.s32 $0x13C00;
	s14 =	simm.s32 $0x80;
	s15 =	simm.s32 $0x13C80  }
0x5: {  	s16 =	simm.s32 $0x13D00;
	s17 =	simm.s32 $0x13D80;
	s18 =	simm.s32 $0x13E00  }
0x6: {  	s19 =	simm.s32 $0x13E80;
	s20 =	simm.s32 $0x13F00;
	s21 =	simm.s32 $0x13F80  }
0x7: {  	s28 =	simm.s32 $0x14280;
	s29 =	simm.s32 $0x14300;
	s5 =	smul.u32 $0x2800, s8  }
0x8: {  	s30 =	simm.s32 $0x14380;
	s31 =	simm.s32 $0x1;
	s22 =	smul.u32 $0x13C00, s8  }
0x9: {  	s0 =	sand.u32 $0x1, s0;
	[smem:$0x7FF] =	sst s3;
	s23 =	smul.u32 $0x4F000, s8  }
0xa: {  	s9 =	sadd.s32 $0x3F800, s1;
	s26 =	sshll.u32 s8, $0x6;
	s4 =	smul.u32 $0x28000, s0  }
0xb: {  	s6 =	smul.u32 $0x13C000, s0;
	_ =	strace $0x80000047;
	s0 =	ssub.s32 $0x2, s0  }
0xc: {  	[dreg:$0x3] =	wrdreg s9;
	s7 =	sshrl.u32 s22, $0x3;
	s24 =	sshrl.u32 s0, $0x1  }
0xd: {  	s4 =	sadd.s32 s5, s4;
	s7 =	sadd.s32 s7, s1;
	s5 =	sadd.s32 s22, s6  }
0xe: {  	s6 =	sshrl.u32 s23, $0x2;
	s0 =	ssub.s32 s0, s24;
	s22 =	simm.s32 $0x14000  }
0xf: {  	s23 =	simm.s32 $0x14080;
	s24 =	simm.s32 $0x14100;
	s4 =	sshrl.u32 s4, $0x3  }
0x10: {  	s5 =	sshrl.u32 s5, $0x3;
	s25 =	sadd.s32 s6, s2;
	s7 =	sadd.s32 $0x18000, s7  }
0x11: {  	s6 =	sor.u32 $0x1C02, s26;
	s8 =	smax.u32 s0, $0x1;
	s26 =	simm.s32 $0x14200  }
0x12: {  	s4 =	sadd.s32 s4, s1;
	s1 =	sadd.s32 s5, s1;
	[dreg:$0x4] =	wrdreg s7  }
0x13: {  	s10 =	sshrl.u32 s25, $0x3;
	s25 =	simm.s32 $0x14180;
	s1 =	sadd.s32 $0x40000, s1  }
0x14: {  	s9 =	sadd.s32 $0xE000, s4;
	[dreg:$0x5] =	wrdreg s1;
	s1 =	simm.s32 $0x0  }
.LBB2_1:
0x15: {  	s0 =	rddreg [dreg:$0x4]  }
0x16: {  	[spmem:s10], [sflag:s6] =	dma.local [hbm:s0], $0x2780  }
0x17: {  	_ =	swait.ge [sflag:s11], $0x2780  }
0x18: {  	[sflag:s11] =	ssyncset.done $0x0  }
0x19: {  	s5 =	rddreg [dreg:$0x3];
	[sflag:s11] =	ssyncadd.s32 $0xFFFFD880  }
0x1a: {  	[tilespmem:s12], [sflag:$0x2] =	stream.linear.gather [hbm4b:s5+s3], $0x4000, $0x38;
	[tilespmem:$0x18400] =	vst v63  }
0x1b: {  	_ =	swait.ge [sflag:s11], $0x4000  }
0x1c: {  	[sflag:s11] =	ssyncset.done $0x0  }
0x1d: {  	[sflag:s11] =	ssyncadd.s32 $0xFFFFC000  }
0x1e: {  	s7 =	sadd.s32 $0x0, s9;
	[bflag:$0x0] =	sbarrier.arrive $0xFFFF  }
0x1f: {  	[tilespmem:s13], [sflag:$0x2] =	stream.linear.gather [hbm4b:s7+s3], $0x800, $0x38;
	[tilespmem:$0x18400] =	vst v63  }
0x20: {  	_ =	swait.ge [sflag:s11], $0x800  }
0x21: {  	[sflag:s11] =	ssyncset.done $0x0  }
0x22: {  	[sflag:s11] =	ssyncadd.s32 $0xFFFFF800  }
0x23: {  	[spmem:s2] =	stream.indirect.scatter.add.f32 [tilespmem:s12], [sflag:$0x1], $0x80, s13, s14, $0xb8;
	[tilespmem:$0x18400] =	vst v63  }
0x24: {  	_ = 	snop  }
0x25: {  	[spmem:s2] =	stream.indirect.scatter.add.f32 [tilespmem:s12], [sflag:$0x1], $0x80, s15, s14, $0xb8;
	[tilespmem:$0x18400] =	vst v63  }
0x26: {  	_ = 	snop  }
0x27: {  	[spmem:s2] =	stream.indirect.scatter.add.f32 [tilespmem:s12], [sflag:$0x1], $0x80, s16, s14, $0xb8;
	[tilespmem:$0x18400] =	vst v63  }
0x28: {  	_ = 	snop  }
0x29: {  	[spmem:s2] =	stream.indirect.scatter.add.f32 [tilespmem:s12], [sflag:$0x1], $0x80, s17, s14, $0xb8;
	[tilespmem:$0x18400] =	vst v63  }
0x2a: {  	_ = 	snop  }
0x2b: {  	[spmem:s2] =	stream.indirect.scatter.add.f32 [tilespmem:s12], [sflag:$0x1], $0x80, s18, s14, $0xb8;
	[tilespmem:$0x18400] =	vst v63  }
0x2c: {  	_ = 	snop  }
0x2d: {  	[spmem:s2] =	stream.indirect.scatter.add.f32 [tilespmem:s12], [sflag:$0x1], $0x80, s19, s14, $0xb8;
	[tilespmem:$0x18400] =	vst v63  }
0x2e: {  	_ = 	snop  }
0x2f: {  	[spmem:s2] =	stream.indirect.scatter.add.f32 [tilespmem:s12], [sflag:$0x1], $0x80, s20, s14, $0xb8;
	[tilespmem:$0x18400] =	vst v63  }
0x30: {  	_ = 	snop  }
0x31: {  	[spmem:s2] =	stream.indirect.scatter.add.f32 [tilespmem:s12], [sflag:$0x1], $0x80, s21, s14, $0xb8;
	[tilespmem:$0x18400] =	vst v63  }
0x32: {  	_ = 	snop  }
0x33: {  	[spmem:s2] =	stream.indirect.scatter.add.f32 [tilespmem:s12], [sflag:$0x1], $0x80, s22, s14, $0xb8;
	[tilespmem:$0x18400] =	vst v63  }
0x34: {  	_ = 	snop  }
0x35: {  	[spmem:s2] =	stream.indirect.scatter.add.f32 [tilespmem:s12], [sflag:$0x1], $0x80, s23, s14, $0xb8;
	[tilespmem:$0x18400] =	vst v63  }
0x36: {  	_ = 	snop  }
0x37: {  	[spmem:s2] =	stream.indirect.scatter.add.f32 [tilespmem:s12], [sflag:$0x1], $0x80, s24, s14, $0xb8;
	[tilespmem:$0x18400] =	vst v63  }
0x38: {  	_ = 	snop  }
0x39: {  	[spmem:s2] =	stream.indirect.scatter.add.f32 [tilespmem:s12], [sflag:$0x1], $0x80, s25, s14, $0xb8;
	[tilespmem:$0x18400] =	vst v63  }
0x3a: {  	_ = 	snop  }
0x3b: {  	[spmem:s2] =	stream.indirect.scatter.add.f32 [tilespmem:s12], [sflag:$0x1], $0x80, s26, s14, $0xb8;
	[tilespmem:$0x18400] =	vst v63  }
0x3c: {  	_ = 	snop  }
0x3d: {  	[spmem:s2] =	stream.indirect.scatter.add.f32 [tilespmem:s12], [sflag:$0x1], $0x80, s28, s14, $0xb8;
	[tilespmem:$0x18400] =	vst v63  }
0x3e: {  	_ = 	snop  }
0x3f: {  	[spmem:s2] =	stream.indirect.scatter.add.f32 [tilespmem:s12], [sflag:$0x1], $0x80, s29, s14, $0xb8;
	[tilespmem:$0x18400] =	vst v63  }
0x40: {  	_ = 	snop  }
0x41: {  	[spmem:s2] =	stream.indirect.scatter.add.f32 [tilespmem:s12], [sflag:$0x1], $0x80, s30, s14, $0xb8;
	[tilespmem:$0x18400] =	vst v63  }
0x42: {  	_ =	swait.ge [sflag:s31], $0x4000  }
0x43: {  	[sflag:s31] =	ssyncset.done $0x0  }
0x44: {  	[sflag:s31] =	ssyncadd.s32 $0xFFFFC000  }
0x45: {  	_ =	swait.ge [sflag:s31], $0x4000  }
0x46: {  	[sflag:s31] =	ssyncset.done $0x0  }
0x47: {  	[sflag:s31] =	ssyncadd.s32 $0xFFFFC000  }
0x48: {  	_ =	swait.ge [sflag:s31], $0x4000  }
0x49: {  	[sflag:s31] =	ssyncset.done $0x0  }
0x4a: {  	[sflag:s31] =	ssyncadd.s32 $0xFFFFC000  }
0x4b: {  	_ =	swait.ge [sflag:s31], $0x4000  }
0x4c: {  	[sflag:s31] =	ssyncset.done $0x0  }
0x4d: {  	[sflag:s31] =	ssyncadd.s32 $0xFFFFC000  }
0x4e: {  	_ =	swait.ge [sflag:s31], $0x4000  }
0x4f: {  	[sflag:s31] =	ssyncset.done $0x0  }
0x50: {  	[sflag:s31] =	ssyncadd.s32 $0xFFFFC000  }
0x51: {  	_ =	swait.ge [sflag:s31], $0x4000  }
0x52: {  	[sflag:s31] =	ssyncset.done $0x0  }
0x53: {  	[sflag:s31] =	ssyncadd.s32 $0xFFFFC000  }
0x54: {  	_ =	swait.ge [sflag:s31], $0x4000  }
0x55: {  	[sflag:s31] =	ssyncset.done $0x0  }
0x56: {  	[sflag:s31] =	ssyncadd.s32 $0xFFFFC000  }
0x57: {  	_ =	swait.ge [sflag:s31], $0x4000  }
0x58: {  	[sflag:s31] =	ssyncset.done $0x0  }
0x59: {  	[sflag:s31] =	ssyncadd.s32 $0xFFFFC000  }
0x5a: {  	_ =	swait.ge [sflag:s31], $0x4000  }
0x5b: {  	[sflag:s31] =	ssyncset.done $0x0  }
0x5c: {  	[sflag:s31] =	ssyncadd.s32 $0xFFFFC000  }
0x5d: {  	_ =	swait.ge [sflag:s31], $0x4000  }
0x5e: {  	[sflag:s31] =	ssyncset.done $0x0  }
0x5f: {  	[sflag:s31] =	ssyncadd.s32 $0xFFFFC000  }
0x60: {  	_ =	swait.ge [sflag:s31], $0x4000  }
0x61: {  	[sflag:s31] =	ssyncset.done $0x0  }
0x62: {  	[sflag:s31] =	ssyncadd.s32 $0xFFFFC000  }
0x63: {  	_ =	swait.ge [sflag:s31], $0x4000  }
0x64: {  	[sflag:s31] =	ssyncset.done $0x0  }
0x65: {  	[sflag:s31] =	ssyncadd.s32 $0xFFFFC000  }
0x66: {  	_ =	swait.ge [sflag:s31], $0x4000  }
0x67: {  	[sflag:s31] =	ssyncset.done $0x0  }
0x68: {  	[sflag:s31] =	ssyncadd.s32 $0xFFFFC000  }
0x69: {  	_ =	swait.ge [sflag:s31], $0x4000  }
0x6a: {  	[sflag:s31] =	ssyncset.done $0x0  }
0x6b: {  	[sflag:s31] =	ssyncadd.s32 $0xFFFFC000  }
0x6c: {  	_ =	swait.ge [sflag:s31], $0x4000  }
0x6d: {  	[sflag:s31] =	ssyncset.done $0x0  }
0x6e: {  	[sflag:s31] =	ssyncadd.s32 $0xFFFFC000  }
0x6f: {  	_ =	swait.ge [sflag:s31], $0x4000  }
0x70: {  	s4 =	simm.s32 $0x200;
	s0 =	simm.s32 $0x100;
	[sflag:s31] =	ssyncset.done $0x0  }
.LBB2_2:
0x71: {  	s7 =	sadd.s32 s0, s9  }
0x72: {  	[sflag:s31] =	ssyncadd.s32 $0xFFFFC000;
	s0 =	smov.u32 s4;
	s5 =	sadd.s32 $0x100, s4  }
0x73: {  	[tilespmem:s13], [sflag:$0x2] =	stream.linear.gather [hbm4b:s7+s3], $0x800, $0x38;
	[tilespmem:$0x18400] =	vst v63  }
0x74: {  	p0 =	sne.s32 s4, $0x400;
	_ =	swait.ge [sflag:s11], $0x800  }
0x75: {  	[sflag:s11] =	ssyncset.done $0x0  }
0x76: {  	[sflag:s11] =	ssyncadd.s32 $0xFFFFF800  }
0x77: {  	[spmem:s2] =	stream.indirect.scatter.add.f32 [tilespmem:s12], [sflag:$0x1], $0x80, s13, s14, $0xb8;
	[tilespmem:$0x18400] =	vst v63  }
0x78: {  	_ = 	snop  }
0x79: {  	[spmem:s2] =	stream.indirect.scatter.add.f32 [tilespmem:s12], [sflag:$0x1], $0x80, s15, s14, $0xb8;
	[tilespmem:$0x18400] =	vst v63  }
0x7a: {  	_ = 	snop  }
0x7b: {  	[spmem:s2] =	stream.indirect.scatter.add.f32 [tilespmem:s12], [sflag:$0x1], $0x80, s16, s14, $0xb8;
	[tilespmem:$0x18400] =	vst v63  }
0x7c: {  	_ = 	snop  }
0x7d: {  	[spmem:s2] =	stream.indirect.scatter.add.f32 [tilespmem:s12], [sflag:$0x1], $0x80, s17, s14, $0xb8;
	[tilespmem:$0x18400] =	vst v63  }
0x7e: {  	_ = 	snop  }
0x7f: {  	[spmem:s2] =	stream.indirect.scatter.add.f32 [tilespmem:s12], [sflag:$0x1], $0x80, s18, s14, $0xb8;
	[tilespmem:$0x18400] =	vst v63  }
0x80: {  	_ = 	snop  }
0x81: {  	[spmem:s2] =	stream.indirect.scatter.add.f32 [tilespmem:s12], [sflag:$0x1], $0x80, s19, s14, $0xb8;
	[tilespmem:$0x18400] =	vst v63  }
0x82: {  	_ = 	snop  }
0x83: {  	[spmem:s2] =	stream.indirect.scatter.add.f32 [tilespmem:s12], [sflag:$0x1], $0x80, s20, s14, $0xb8;
	[tilespmem:$0x18400] =	vst v63  }
0x84: {  	_ = 	snop  }
0x85: {  	[spmem:s2] =	stream.indirect.scatter.add.f32 [tilespmem:s12], [sflag:$0x1], $0x80, s21, s14, $0xb8;
	[tilespmem:$0x18400] =	vst v63  }
0x86: {  	_ = 	snop  }
0x87: {  	[spmem:s2] =	stream.indirect.scatter.add.f32 [tilespmem:s12], [sflag:$0x1], $0x80, s22, s14, $0xb8;
	[tilespmem:$0x18400] =	vst v63  }
0x88: {  	_ = 	snop  }
0x89: {  	[spmem:s2] =	stream.indirect.scatter.add.f32 [tilespmem:s12], [sflag:$0x1], $0x80, s23, s14, $0xb8;
	[tilespmem:$0x18400] =	vst v63  }
0x8a: {  	_ = 	snop  }
0x8b: {  	[spmem:s2] =	stream.indirect.scatter.add.f32 [tilespmem:s12], [sflag:$0x1], $0x80, s24, s14, $0xb8;
	[tilespmem:$0x18400] =	vst v63  }
0x8c: {  	_ = 	snop  }
0x8d: {  	[spmem:s2] =	stream.indirect.scatter.add.f32 [tilespmem:s12], [sflag:$0x1], $0x80, s25, s14, $0xb8;
	[tilespmem:$0x18400] =	vst v63  }
0x8e: {  	_ = 	snop  }
0x8f: {  	[spmem:s2] =	stream.indirect.scatter.add.f32 [tilespmem:s12], [sflag:$0x1], $0x80, s26, s14, $0xb8;
	[tilespmem:$0x18400] =	vst v63  }
0x90: {  	_ = 	snop  }
0x91: {  	[spmem:s2] =	stream.indirect.scatter.add.f32 [tilespmem:s12], [sflag:$0x1], $0x80, s28, s14, $0xb8;
	[tilespmem:$0x18400] =	vst v63  }
0x92: {  	_ = 	snop  }
0x93: {  	[spmem:s2] =	stream.indirect.scatter.add.f32 [tilespmem:s12], [sflag:$0x1], $0x80, s29, s14, $0xb8;
	[tilespmem:$0x18400] =	vst v63  }
0x94: {  	_ = 	snop  }
0x95: {  	[spmem:s2] =	stream.indirect.scatter.add.f32 [tilespmem:s12], [sflag:$0x1], $0x80, s30, s14, $0xb8;
	[tilespmem:$0x18400] =	vst v63  }
0x96: {  	_ =	swait.ge [sflag:s31], $0x4000  }
0x97: {  	[sflag:s31] =	ssyncset.done $0x0  }
0x98: {  	[sflag:s31] =	ssyncadd.s32 $0xFFFFC000  }
0x99: {  	_ =	swait.ge [sflag:s31], $0x4000  }
0x9a: {  	[sflag:s31] =	ssyncset.done $0x0  }
0x9b: {  	[sflag:s31] =	ssyncadd.s32 $0xFFFFC000  }
0x9c: {  	_ =	swait.ge [sflag:s31], $0x4000  }
0x9d: {  	[sflag:s31] =	ssyncset.done $0x0  }
0x9e: {  	[sflag:s31] =	ssyncadd.s32 $0xFFFFC000  }
0x9f: {  	_ =	swait.ge [sflag:s31], $0x4000  }
0xa0: {  	[sflag:s31] =	ssyncset.done $0x0  }
0xa1: {  	[sflag:s31] =	ssyncadd.s32 $0xFFFFC000  }
0xa2: {  	_ =	swait.ge [sflag:s31], $0x4000  }
0xa3: {  	[sflag:s31] =	ssyncset.done $0x0  }
0xa4: {  	[sflag:s31] =	ssyncadd.s32 $0xFFFFC000  }
0xa5: {  	_ =	swait.ge [sflag:s31], $0x4000  }
0xa6: {  	[sflag:s31] =	ssyncset.done $0x0  }
0xa7: {  	[sflag:s31] =	ssyncadd.s32 $0xFFFFC000  }
0xa8: {  	_ =	swait.ge [sflag:s31], $0x4000  }
0xa9: {  	[sflag:s31] =	ssyncset.done $0x0  }
0xaa: {  	[sflag:s31] =	ssyncadd.s32 $0xFFFFC000  }
0xab: {  	_ =	swait.ge [sflag:s31], $0x4000  }
0xac: {  	[sflag:s31] =	ssyncset.done $0x0  }
0xad: {  	[sflag:s31] =	ssyncadd.s32 $0xFFFFC000  }
0xae: {  	_ =	swait.ge [sflag:s31], $0x4000  }
0xaf: {  	[sflag:s31] =	ssyncset.done $0x0  }
0xb0: {  	[sflag:s31] =	ssyncadd.s32 $0xFFFFC000  }
0xb1: {  	_ =	swait.ge [sflag:s31], $0x4000  }
0xb2: {  	[sflag:s31] =	ssyncset.done $0x0  }
0xb3: {  	[sflag:s31] =	ssyncadd.s32 $0xFFFFC000  }
0xb4: {  	_ =	swait.ge [sflag:s31], $0x4000  }
0xb5: {  	[sflag:s31] =	ssyncset.done $0x0  }
0xb6: {  	[sflag:s31] =	ssyncadd.s32 $0xFFFFC000  }
0xb7: {  	_ =	swait.ge [sflag:s31], $0x4000  }
0xb8: {  	[sflag:s31] =	ssyncset.done $0x0  }
0xb9: {  	[sflag:s31] =	ssyncadd.s32 $0xFFFFC000  }
0xba: {  	_ =	swait.ge [sflag:s31], $0x4000  }
0xbb: {  	[sflag:s31] =	ssyncset.done $0x0  }
0xbc: {  	[sflag:s31] =	ssyncadd.s32 $0xFFFFC000  }
0xbd: {  	_ =	swait.ge [sflag:s31], $0x4000  }
0xbe: {  	[sflag:s31] =	ssyncset.done $0x0  }
0xbf: {  	[sflag:s31] =	ssyncadd.s32 $0xFFFFC000  }
.Ltmp0:
0xc0: {  	_ =	swait.ge [sflag:s31], $0x4000;
	(pc) =	sbr.rel @p0 .LBB2_2-.Ltmp0, $4  }
0xc1: {  	[sflag:s31] =	ssyncset.done $0x0  }
0xc2: {  	[sflag:s31] =	ssyncadd.s32 $0xFFFFC000  }
0xc3: {  	_ =	swait.ge [sflag:s31], $0x4000  }
0xc4: {  	s4 =	smov.u32 s5;
	[sflag:s31] =	ssyncset.done $0x0  }
0xc5: {  	s0 =	sadd.s32 s0, s9;
	[sflag:s31] =	ssyncadd.s32 $0xFFFFC000  }
0xc6: {  	[tilespmem:s13], [sflag:$0x2] =	stream.linear.gather [hbm4b:s0+s3], $0x800, $0x38;
	[tilespmem:$0x18400] =	vst v63  }
0xc7: {  	_ =	swait.ge [sflag:s11], $0x800  }
0xc8: {  	[sflag:s11] =	ssyncset.done $0x0  }
0xc9: {  	[sflag:s11] =	ssyncadd.s32 $0xFFFFF800  }
0xca: {  	[spmem:s2] =	stream.indirect.scatter.add.f32 [tilespmem:s12], [sflag:$0x1], $0x80, s13, s14, $0xb8;
	[tilespmem:$0x18400] =	vst v63  }
0xcb: {  	_ = 	snop  }
0xcc: {  	[spmem:s2] =	stream.indirect.scatter.add.f32 [tilespmem:s12], [sflag:$0x1], $0x80, s15, s14, $0xb8;
	[tilespmem:$0x18400] =	vst v63  }
0xcd: {  	_ = 	snop  }
0xce: {  	[spmem:s2] =	stream.indirect.scatter.add.f32 [tilespmem:s12], [sflag:$0x1], $0x80, s16, s14, $0xb8;
	[tilespmem:$0x18400] =	vst v63  }
0xcf: {  	_ = 	snop  }
0xd0: {  	[spmem:s2] =	stream.indirect.scatter.add.f32 [tilespmem:s12], [sflag:$0x1], $0x80, s17, s14, $0xb8;
	[tilespmem:$0x18400] =	vst v63  }
0xd1: {  	_ = 	snop  }
0xd2: {  	[spmem:s2] =	stream.indirect.scatter.add.f32 [tilespmem:s12], [sflag:$0x1], $0x80, s18, s14, $0xb8;
	[tilespmem:$0x18400] =	vst v63  }
0xd3: {  	_ = 	snop  }
0xd4: {  	[spmem:s2] =	stream.indirect.scatter.add.f32 [tilespmem:s12], [sflag:$0x1], $0x80, s19, s14, $0xb8;
	[tilespmem:$0x18400] =	vst v63  }
0xd5: {  	_ = 	snop  }
0xd6: {  	[spmem:s2] =	stream.indirect.scatter.add.f32 [tilespmem:s12], [sflag:$0x1], $0x80, s20, s14, $0xb8;
	[tilespmem:$0x18400] =	vst v63  }
0xd7: {  	_ = 	snop  }
0xd8: {  	[spmem:s2] =	stream.indirect.scatter.add.f32 [tilespmem:s12], [sflag:$0x1], $0x80, s21, s14, $0xb8;
	[tilespmem:$0x18400] =	vst v63  }
0xd9: {  	_ = 	snop  }
0xda: {  	[spmem:s2] =	stream.indirect.scatter.add.f32 [tilespmem:s12], [sflag:$0x1], $0x80, s22, s14, $0xb8;
	[tilespmem:$0x18400] =	vst v63  }
0xdb: {  	_ = 	snop  }
0xdc: {  	[spmem:s2] =	stream.indirect.scatter.add.f32 [tilespmem:s12], [sflag:$0x1], $0x80, s23, s14, $0xb8;
	[tilespmem:$0x18400] =	vst v63  }
0xdd: {  	_ = 	snop  }
0xde: {  	[spmem:s2] =	stream.indirect.scatter.add.f32 [tilespmem:s12], [sflag:$0x1], $0x80, s24, s14, $0xb8;
	[tilespmem:$0x18400] =	vst v63  }
0xdf: {  	_ = 	snop  }
0xe0: {  	[spmem:s2] =	stream.indirect.scatter.add.f32 [tilespmem:s12], [sflag:$0x1], $0x80, s25, s14, $0xb8;
	[tilespmem:$0x18400] =	vst v63  }
0xe1: {  	_ = 	snop  }
0xe2: {  	[spmem:s2] =	stream.indirect.scatter.add.f32 [tilespmem:s12], [sflag:$0x1], $0x80, s26, s14, $0xb8;
	[tilespmem:$0x18400] =	vst v63  }
0xe3: {  	_ = 	snop  }
0xe4: {  	[spmem:s2] =	stream.indirect.scatter.add.f32 [tilespmem:s12], [sflag:$0x1], $0x80, s28, s14, $0xb8;
	[tilespmem:$0x18400] =	vst v63  }
0xe5: {  	_ = 	snop  }
0xe6: {  	[spmem:s2] =	stream.indirect.scatter.add.f32 [tilespmem:s12], [sflag:$0x1], $0x80, s29, s14, $0xb8;
	[tilespmem:$0x18400] =	vst v63  }
0xe7: {  	_ = 	snop  }
0xe8: {  	[spmem:s2] =	stream.indirect.scatter.add.f32 [tilespmem:s12], [sflag:$0x1], $0x80, s30, s14, $0xb8;
	[tilespmem:$0x18400] =	vst v63  }
0xe9: {  	_ =	swait.ge [sflag:s31], $0x4000  }
0xea: {  	[sflag:s31] =	ssyncset.done $0x0  }
0xeb: {  	[sflag:s31] =	ssyncadd.s32 $0xFFFFC000  }
0xec: {  	_ =	swait.ge [sflag:s31], $0x4000  }
0xed: {  	[sflag:s31] =	ssyncset.done $0x0  }
0xee: {  	[sflag:s31] =	ssyncadd.s32 $0xFFFFC000  }
0xef: {  	_ =	swait.ge [sflag:s31], $0x4000  }
0xf0: {  	[sflag:s31] =	ssyncset.done $0x0  }
0xf1: {  	[sflag:s31] =	ssyncadd.s32 $0xFFFFC000  }
0xf2: {  	_ =	swait.ge [sflag:s31], $0x4000  }
0xf3: {  	[sflag:s31] =	ssyncset.done $0x0  }
0xf4: {  	[sflag:s31] =	ssyncadd.s32 $0xFFFFC000  }
0xf5: {  	_ =	swait.ge [sflag:s31], $0x4000  }
0xf6: {  	[sflag:s31] =	ssyncset.done $0x0  }
0xf7: {  	[sflag:s31] =	ssyncadd.s32 $0xFFFFC000  }
0xf8: {  	_ =	swait.ge [sflag:s31], $0x4000  }
0xf9: {  	[sflag:s31] =	ssyncset.done $0x0  }
0xfa: {  	[sflag:s31] =	ssyncadd.s32 $0xFFFFC000  }
0xfb: {  	_ =	swait.ge [sflag:s31], $0x4000  }
0xfc: {  	[sflag:s31] =	ssyncset.done $0x0  }
0xfd: {  	[sflag:s31] =	ssyncadd.s32 $0xFFFFC000  }
0xfe: {  	_ =	swait.ge [sflag:s31], $0x4000  }
0xff: {  	[sflag:s31] =	ssyncset.done $0x0  }
0x100: {  	[sflag:s31] =	ssyncadd.s32 $0xFFFFC000  }
0x101: {  	_ =	swait.ge [sflag:s31], $0x4000  }
0x102: {  	[sflag:s31] =	ssyncset.done $0x0  }
0x103: {  	[sflag:s31] =	ssyncadd.s32 $0xFFFFC000  }
0x104: {  	_ =	swait.ge [sflag:s31], $0x4000  }
0x105: {  	[sflag:s31] =	ssyncset.done $0x0  }
0x106: {  	[sflag:s31] =	ssyncadd.s32 $0xFFFFC000  }
0x107: {  	_ =	swait.ge [sflag:s31], $0x4000  }
0x108: {  	[sflag:s31] =	ssyncset.done $0x0  }
0x109: {  	[sflag:s31] =	ssyncadd.s32 $0xFFFFC000  }
0x10a: {  	_ =	swait.ge [sflag:s31], $0x4000  }
0x10b: {  	[sflag:s31] =	ssyncset.done $0x0  }
0x10c: {  	[sflag:s31] =	ssyncadd.s32 $0xFFFFC000  }
0x10d: {  	_ =	swait.ge [sflag:s31], $0x4000  }
0x10e: {  	[sflag:s31] =	ssyncset.done $0x0  }
0x10f: {  	[sflag:s31] =	ssyncadd.s32 $0xFFFFC000  }
0x110: {  	_ =	swait.ge [sflag:s31], $0x4000  }
0x111: {  	[sflag:s31] =	ssyncset.done $0x0  }
0x112: {  	[sflag:s31] =	ssyncadd.s32 $0xFFFFC000  }
0x113: {  	_ =	swait.ge [sflag:s31], $0x4000  }
0x114: {  	[sflag:s31] =	ssyncset.done $0x0  }
0x115: {  	[sflag:s31] =	ssyncadd.s32 $0xFFFFC000  }
0x116: {  	_ =	swait.ge [sflag:s31], $0x4000  }
0x117: {  	[sflag:s31] =	ssyncset.done $0x0  }
0x118: {  	s1 =	sadd.s32 $0x1, s1;
	[sflag:s31] =	ssyncadd.s32 $0xFFFFC000  }
0x119: {  	p0 =	sne.s32 s1, s8;
	[bflag:$0x0] =	sbarrier.arrive $0xFFFF  }
.Ltmp1:
0x11a: {  	s7 =	rddreg [dreg:$0x5];
	(pc) =	sbr.rel @p0 .LBB2_1-.Ltmp1, $4  }
0x11b: {  	[hbm:s7], [sflag:s6] =	dma.local [spmem:s10], $0x2780  }
0x11c: {  	_ =	swait.ge [sflag:s11], $0x2780  }
0x11d: {  	[sflag:s11] =	ssyncset.done $0x0  }
0x11e: {  	[sflag:s11] =	ssyncadd.s32 $0xFFFFD880  }
0x11f: {  	_ =	sfence.sel $0x180000  }
0x120: {  	[bflag:$0x0] =	sbarrier.arrive $0xFFFF  }
0x121: {  	_ =	strace $0x90000047  }
0x122: {  	s0 =	stileid.u32;
	[bflag:$0x2] =	sbarrier.arrive $0xFFFF  }
0x123: {  	p0 =	sne.s32 s0, $0x0;
	s0 =	rddreg [dreg:$0x2]  }
0x124: {  	s0 =	sadd.s32 @!p0 $0x100000, s0  }
0x125: {  	[sflag:s0] =	ssyncadd.tile.s32 @!p0 $0x1;
	_ =	shalt  }
.Lfunc_end2:
_tile_overlayer_lowered:
.L_overlay_start_2:
0x126: {  	(tag) =	ssettag $0x2  }
0x127: {  	s0 =	rddreg [dreg:$0x0];
	s2 =	stileid.u32  }
0x128: {  	s1 =	rddreg [dreg:$0x1];
	p0 =	sne.s32 s2, $0x0  }
0x129: {  	s3 =	rddreg [dreg:$0x2];
	[bflag:$0x3] =	sbarrier.arrive $0xFFFF;
	s2 =	simm.s32 @!p0 $0x1C02  }
0x12a: {  	[timem:s3], [sflag:s2] =	dma.local @!p0 [hbm:s0], s1  }
0x12b: {  	s0 =	simm.s32 @!p0 $0x2  }
0x12c: {  	_ =	swait.ge @!p0 [sflag:s0], s1  }
0x12d: {  	s1 =	ssub.s32 @!p0 $0x0, s1;
	[sflag:s0] =	ssyncset.done @!p0 $0x0  }
0x12e: {  	[sflag:s0] =	ssyncadd.s32 @!p0 s1  }
0x12f: {  	[bflag:$0x3] =	sbarrier.arrive $0xFFFF  }
0x130: {  	_ =	shalt  }

</sc_bundles>
